<compile_context>
chip_gen: v7x
topology: tpu7x:2x2x1
jax: 0.10.2.dev20260603
libtpu: 0.0.44.dev20260713+nightly
codegen_flags: <defaults>
</compile_context>

<pallas_src>
import functools

import jax
import jax.numpy as jnp
from jax import lax
from jax.experimental import pallas as pl
from jax.experimental.pallas import tpu as pltpu
from jax.experimental.pallas import tpu_sc as plsc

N_NODES = 100000
N_PAD = 102400
EMB_DIM = 128
MAX_DEG = 256
BLK = 12800

E_TOTAL = 1600000
E_PAD = 1638400
CHUNK = 2048
E_PER_SUB = E_PAD // 16
NCHUNKS = E_PER_SUB // CHUNK
NPAIRS = NCHUNKS // 2
SEG = N_PAD // 16


_sc_mesh = plsc.VectorSubcoreMesh(core_axis_name="c", subcore_axis_name="s")


@functools.partial(
    pl.kernel,
    out_type=jax.ShapeDtypeStruct((2, N_PAD), jnp.int32),
    mesh=_sc_mesh,
    scratch_types=[
        pltpu.VMEM_SHARED((N_PAD,), jnp.int32),
        pltpu.VMEM((2, CHUNK), jnp.int32),
        pltpu.VMEM((CHUNK,), jnp.int32),
        pltpu.VMEM((CHUNK,), jnp.int32),
        pltpu.VMEM((2, CHUNK), jnp.int32),
        pltpu.VMEM((CHUNK,), jnp.int32),
        pltpu.VMEM((CHUNK,), jnp.int32),
        pltpu.SemaphoreType.DMA,
        pltpu.SemaphoreType.DMA,
        pltpu.SemaphoreType.DMA,
        pltpu.SemaphoreType.DMA,
    ],
)
def _sc_degrees(edgesH, outH, acc,
                ebuf0, idx0, val0, ebuf1, idx1, val1,
                sem0, sem1, ssem0, ssem1):
    c = lax.axis_index("c")
    s = lax.axis_index("s")
    bufs = ((ebuf0, idx0, val0, sem0, ssem0), (ebuf1, idx1, val1, sem1, ssem1))

    def load_pair(chunk, ebuf, sem):
        e0 = s * E_PER_SUB + chunk * CHUNK
        pltpu.async_copy(edgesH.at[:, pl.ds(e0, CHUNK)], ebuf, sem)

    def wait_pair(ebuf, sem):
        pltpu.make_async_copy(edgesH.at[:, pl.ds(0, CHUNK)], ebuf, sem).wait()

    load_pair(0, ebuf0, sem0)
    load_pair(1, ebuf1, sem1)

    def zero_body(i, carry):
        val0[pl.ds(i * 16, 16)] = jnp.zeros((16,), jnp.int32)
        return carry

    lax.fori_loop(0, CHUNK // 16, zero_body, 0)
    base = s * SEG
    for k in range(3):
        pltpu.sync_copy(val0, acc.at[pl.ds(base + k * CHUNK, CHUNK)])
    pltpu.sync_copy(val0.at[pl.ds(0, 256)], acc.at[pl.ds(base + 3 * CHUNK, 256)])
    plsc.subcore_barrier()

    def pair_body(t, carry):
        for b in range(2):
            ebuf, ibuf, vbuf, sem, ssem = bufs[b]
            chunk = t * 2 + b
            wait_pair(ebuf, sem)

            @pl.when(t > 0)
            def _():
                pltpu.make_async_copy(vbuf, acc.at[ibuf], ssem).wait()

            def vec_body(i, carry2):
                for u in range(4):
                    o = i * 64 + u * 16
                    sv = ebuf[0, pl.ds(o, 16)]
                    dv = ebuf[1, pl.ds(o, 16)]
                    vbuf[pl.ds(o, 16)] = jnp.where(
                        sv != dv, jnp.int32(1), jnp.int32(0))
                    ibuf[pl.ds(o, 16)] = jnp.where(c == 0, dv, sv)
                return carry2

            lax.fori_loop(0, CHUNK // 64, vec_body, 0)

            pltpu.make_async_copy(vbuf, acc.at[ibuf], ssem).start(add=True)

            @pl.when(chunk + 2 < NCHUNKS)
            def _():
                load_pair(chunk + 2, ebuf, sem)
        return carry

    lax.fori_loop(0, NPAIRS, pair_body, 0)
    for b in range(2):
        ebuf, ibuf, vbuf, sem, ssem = bufs[b]
        pltpu.make_async_copy(vbuf, acc.at[ibuf], ssem).wait()
    plsc.subcore_barrier()
    pltpu.sync_copy(acc.at[pl.ds(base, SEG)], outH.at[c, pl.ds(base, SEG)])


def _tc_body(x_ref, wt_ref, b_ref, ind_ref, outd_ref, ie_ref, oe_ref, o_ref):
    h = jnp.dot(x_ref[...], wt_ref[...], preferred_element_type=jnp.float32)
    h = h + b_ref[...]
    iota = lax.broadcasted_iota(jnp.int32, (MAX_DEG, BLK), 0)
    ind = jnp.clip(ind_ref[0], 0, MAX_DEG - 1)
    outd = jnp.clip(outd_ref[0], 0, MAX_DEG - 1)
    dn = (((0,), (0,)), ((), ()))
    oh_in = (ind == iota).astype(jnp.bfloat16)
    oh_out = (outd == iota).astype(jnp.bfloat16)
    h = h + lax.dot_general(oh_in, ie_ref[...], dn,
                            preferred_element_type=jnp.float32)
    h = h + lax.dot_general(oh_out, oe_ref[...], dn,
                            preferred_element_type=jnp.float32)
    o_ref[...] = h


def _tc_pass(x, Wt, b2, deg, in_emb, out_emb):
    grid = (pl.cdiv(N_NODES, BLK),)
    return pl.pallas_call(
        _tc_body,
        grid=grid,
        in_specs=[
            pl.BlockSpec((BLK, x.shape[1]), lambda i: (i, 0)),
            pl.BlockSpec(Wt.shape, lambda i: (0, 0)),
            pl.BlockSpec(b2.shape, lambda i: (0, 0)),
            pl.BlockSpec((1, 1, BLK), lambda i: (0, 0, i)),
            pl.BlockSpec((1, 1, BLK), lambda i: (1, 0, i)),
            pl.BlockSpec(in_emb.shape, lambda i: (0, 0)),
            pl.BlockSpec(out_emb.shape, lambda i: (0, 0)),
        ],
        out_specs=pl.BlockSpec((BLK, EMB_DIM), lambda i: (i, 0)),
        out_shape=jax.ShapeDtypeStruct((N_NODES, EMB_DIM), jnp.float32),
    )(x, Wt, b2, deg, deg, in_emb, out_emb)


def kernel(x, edge_index, W, b, in_emb, out_emb):
    ei = edge_index.astype(jnp.int32)
    ei = jnp.pad(ei, ((0, 0), (0, E_PAD - E_TOTAL)))
    deg = _sc_degrees(ei).reshape(2, 1, N_PAD)
    return _tc_pass(x, W.T, b.reshape(1, EMB_DIM), deg,
                    in_emb.astype(jnp.bfloat16), out_emb.astype(jnp.bfloat16))

# --- scband reference (transcript-rebuilt; emitter-appended) ---
"""Pipeline reference for scband-graphormer-centrality-encoder-15839839388359 (READ-ONLY COPY).

The authoritative reference and input builder live on the scoring server;
editing this copy changes nothing except your own understanding.
"""

import jax, jax.numpy as jnp
import numpy as np

N_NODES = 100000
N_EDGES = 1600000
IN_DIM = 34
EMB_DIM = 128
MAX_DEG = 256


def setup_inputs(seed: int = 0) -> dict:
    key = jax.random.key(seed)
    k1, k2, k3, k4, k5, k6 = jax.random.split(key, 6)
    x = jax.random.normal(k1, (N_NODES, IN_DIM), dtype=jnp.float32)
    edge_index = jax.random.randint(k2, (2, N_EDGES), 0, N_NODES, dtype=jnp.int64)
    # nn.Linear(in_dim, emb_dim): weight [emb_dim, in_dim], bias [emb_dim]
    bound = 1.0 / np.sqrt(IN_DIM)
    W = jax.random.uniform(k3, (EMB_DIM, IN_DIM), dtype=jnp.float32, minval=-bound, maxval=bound)
    b = jax.random.uniform(k4, (EMB_DIM,), dtype=jnp.float32, minval=-bound, maxval=bound)
    in_emb = jax.random.normal(k5, (MAX_DEG, EMB_DIM), dtype=jnp.float32)
    out_emb = jax.random.normal(k6, (MAX_DEG, EMB_DIM), dtype=jnp.float32)
    return {"x": x, "edge_index": edge_index, "W": W, "b": b, "in_emb": in_emb, "out_emb": out_emb}


def reference(x, edge_index, W, b, in_emb, out_emb):
    num_nodes = x.shape[0]
    src = edge_index[0]
    dst = edge_index[1]
    # remove self-loops (count_self_loops=False): mask them out of degree counts
    not_self = (src != dst).astype(jnp.int32)
    in_deg = jnp.zeros((num_nodes,), dtype=jnp.int32).at[dst].add(not_self)
    out_deg = jnp.zeros((num_nodes,), dtype=jnp.int32).at[src].add(not_self)
    in_deg = jnp.clip(in_deg, 0, MAX_DEG - 1)
    out_deg = jnp.clip(out_deg, 0, MAX_DEG - 1)
    h = x @ W.T + b
    h = h + jnp.take(in_emb, in_deg, axis=0) + jnp.take(out_emb, out_deg, axis=0)
    return h

if __name__ == "__main__":
    import jax
    _d = setup_inputs()
    print(jax.jit(kernel)(*tuple(_d.values())))

</pallas_src>

<mosaic_0001>
#map = affine_map<(d0, d1) -> (0, 0)>
module attributes {stable_mosaic.version = 14 : i64} {
  func.func @_sc_degrees(%arg0: i32, %arg1: i32, %arg2: memref<2x1638400xi32, #tpu.memory_space<hbm>>, %arg3: memref<2x102400xi32, #tpu.memory_space<hbm>>, %arg4: memref<102400xi32, #tpu.memory_space<vmem_shared>>, %arg5: memref<2x2048xi32, #tpu.memory_space<vmem>>, %arg6: memref<2048xi32, #tpu.memory_space<vmem>>, %arg7: memref<2048xi32, #tpu.memory_space<vmem>>, %arg8: memref<2x2048xi32, #tpu.memory_space<vmem>>, %arg9: memref<2048xi32, #tpu.memory_space<vmem>>, %arg10: memref<2048xi32, #tpu.memory_space<vmem>>, %arg11: memref<!tpu.dma_semaphore, #tpu.memory_space<semaphore_mem>>, %arg12: memref<!tpu.dma_semaphore, #tpu.memory_space<semaphore_mem>>, %arg13: memref<!tpu.dma_semaphore, #tpu.memory_space<semaphore_mem>>, %arg14: memref<!tpu.dma_semaphore, #tpu.memory_space<semaphore_mem>>) attributes {dimension_semantics = [#tpu.dimension_semantics<core_parallel>, #tpu.dimension_semantics<subcore_parallel>], iteration_bounds = array<i64: 2, 16>, scalar_prefetch = 0 : i64, scratch_operands = 11 : i64, tpu.core_type = #tpu.core_type<sc_vector_subcore>, window_params = [{transform_indices = #map}, {transform_indices = #map}]} {
    %mul3A = arith.constant 102400 : i32
    %mul3A_0 = arith.muli %arg1, %mul3A : i32
    %add3A = arith.constant 0 : i32
    %add3A_1 = arith.addi %mul3A_0, %add3A : i32
    %dma_start3A = arith.constant 0 : i32
    %dma_start3A_2 = tpu.memref_slice %arg2[%dma_start3A, %add3A_1] : memref<2x1638400xi32, #tpu.memory_space<hbm>> -> memref<2x2048xi32, #tpu.memory_space<hbm>>
    %dma_start3A_3 = arith.constant 0 : i32
    %dma_start3A_4 = tpu.memref_slice %arg2[%dma_start3A_3, %add3A_1] : memref<2x1638400xi32, #tpu.memory_space<hbm>> -> memref<2x2048xi32, #tpu.memory_space<hbm>>
    tpu.enqueue_dma source(%dma_start3A_4 : memref<2x2048xi32, #tpu.memory_space<hbm>>) target(%arg5 : memref<2x2048xi32, #tpu.memory_space<vmem>>) target_semaphore(%arg11 : memref<!tpu.dma_semaphore, #tpu.memory_space<semaphore_mem>>)
    %mul3A_5 = arith.constant 102400 : i32
    %mul3A_6 = arith.muli %arg1, %mul3A_5 : i32
    %add3A_7 = arith.constant 2048 : i32
    %add3A_8 = arith.addi %mul3A_6, %add3A_7 : i32
    %dma_start3A_9 = arith.constant 0 : i32
    %dma_start3A_10 = tpu.memref_slice %arg2[%dma_start3A_9, %add3A_8] : memref<2x1638400xi32, #tpu.memory_space<hbm>> -> memref<2x2048xi32, #tpu.memory_space<hbm>>
    %dma_start3A_11 = arith.constant 0 : i32
    %dma_start3A_12 = tpu.memref_slice %arg2[%dma_start3A_11, %add3A_8] : memref<2x1638400xi32, #tpu.memory_space<hbm>> -> memref<2x2048xi32, #tpu.memory_space<hbm>>
    tpu.enqueue_dma source(%dma_start3A_12 : memref<2x2048xi32, #tpu.memory_space<hbm>>) target(%arg8 : memref<2x2048xi32, #tpu.memory_space<vmem>>) target_semaphore(%arg12 : memref<!tpu.dma_semaphore, #tpu.memory_space<semaphore_mem>>)
    %scan3A = arith.constant 0 : i32
    %scan3A_13 = arith.constant 0 : i32
    %scan3A_14 = arith.constant 128 : i32
    %scan3A_15 = arith.addi %scan3A_13, %scan3A_14 : i32
    %scan3A_16 = arith.constant 1 : i32
    scf.for %scan3A_38 = %scan3A_13 to %scan3A_15 step %scan3A_16  : i32 {
      %broadcast_in_dim3A = arith.constant 0 : i32
      %broadcast_in_dim3A_39 = vector.broadcast %broadcast_in_dim3A : i32 to vector<16xi32>
      %mul3A_40 = arith.constant 16 : i32
      %mul3A_41 = arith.muli %scan3A_38, %mul3A_40 : i32
      %swap3A = arith.index_cast %mul3A_41 : i32 to index
      %swap3A_42 = tpu.vector_load %arg7[%swap3A] {strides = array<i32>} : memref<2048xi32, #tpu.memory_space<vmem>>, vector<16xi32>,
      %swap3A_43 = vector.shape_cast %swap3A_42 : vector<16xi32> to vector<16xi32>
      %swap3A_44 = vector.shape_cast %broadcast_in_dim3A_39 : vector<16xi32> to vector<16xi32>
      tpu.vector_store %arg7[%swap3A], %swap3A_44 {strides = array<i32>} : memref<2048xi32, #tpu.memory_space<vmem>>, vector<16xi32>,
    }
    %scan3A_17 = arith.constant 128 : i32
    %mul3A_18 = arith.constant 6400 : i32
    %mul3A_19 = arith.muli %arg1, %mul3A_18 : i32
    %add3A_20 = arith.constant 0 : i32
    %add3A_21 = arith.addi %mul3A_19, %add3A_20 : i32
    "tpu.region"() ({
      %run_scoped3A = tpu.sem_alloc : memref<!tpu.dma_semaphore, #tpu.memory_space<semaphore_mem>>
      %dma_start3A_38 = tpu.memref_slice %arg4[%add3A_21] : memref<102400xi32, #tpu.memory_space<vmem_shared>> -> memref<2048xi32, #tpu.memory_space<vmem_shared>>
      %dma_start3A_39 = tpu.memref_slice %arg4[%add3A_21] : memref<102400xi32, #tpu.memory_space<vmem_shared>> -> memref<2048xi32, #tpu.memory_space<vmem_shared>>
      tpu.enqueue_dma source(%arg7 : memref<2048xi32, #tpu.memory_space<vmem>>) target(%dma_start3A_39 : memref<2048xi32, #tpu.memory_space<vmem_shared>>) target_semaphore(%run_scoped3A : memref<!tpu.dma_semaphore, #tpu.memory_space<semaphore_mem>>)
      %dma_wait3A_40 = tpu.memref_slice %arg4[%add3A_21] : memref<102400xi32, #tpu.memory_space<vmem_shared>> -> memref<2048xi32, #tpu.memory_space<vmem_shared>>
      %dma_wait3A_41 = tpu.memref_slice %arg4[%add3A_21] : memref<102400xi32, #tpu.memory_space<vmem_shared>> -> memref<2048xi32, #tpu.memory_space<vmem_shared>>
      tpu.wait_dma2 semaphore(%run_scoped3A : memref<!tpu.dma_semaphore, #tpu.memory_space<semaphore_mem>>) src(%arg7 : memref<2048xi32, #tpu.memory_space<vmem>>) dst(%dma_wait3A_41 : memref<2048xi32, #tpu.memory_space<vmem_shared>>)
      tpu.yield
    }) : () -> ()
    %add3A_22 = arith.constant 2048 : i32
    %add3A_23 = arith.addi %mul3A_19, %add3A_22 : i32
    "tpu.region"() ({
      %run_scoped3A = tpu.sem_alloc : memref<!tpu.dma_semaphore, #tpu.memory_space<semaphore_mem>>
      %dma_start3A_38 = tpu.memref_slice %arg4[%add3A_23] : memref<102400xi32, #tpu.memory_space<vmem_shared>> -> memref<2048xi32, #tpu.memory_space<vmem_shared>>
      %dma_start3A_39 = tpu.memref_slice %arg4[%add3A_23] : memref<102400xi32, #tpu.memory_space<vmem_shared>> -> memref<2048xi32, #tpu.memory_space<vmem_shared>>
      tpu.enqueue_dma source(%arg7 : memref<2048xi32, #tpu.memory_space<vmem>>) target(%dma_start3A_39 : memref<2048xi32, #tpu.memory_space<vmem_shared>>) target_semaphore(%run_scoped3A : memref<!tpu.dma_semaphore, #tpu.memory_space<semaphore_mem>>)
      %dma_wait3A_40 = tpu.memref_slice %arg4[%add3A_23] : memref<102400xi32, #tpu.memory_space<vmem_shared>> -> memref<2048xi32, #tpu.memory_space<vmem_shared>>
      %dma_wait3A_41 = tpu.memref_slice %arg4[%add3A_23] : memref<102400xi32, #tpu.memory_space<vmem_shared>> -> memref<2048xi32, #tpu.memory_space<vmem_shared>>
      tpu.wait_dma2 semaphore(%run_scoped3A : memref<!tpu.dma_semaphore, #tpu.memory_space<semaphore_mem>>) src(%arg7 : memref<2048xi32, #tpu.memory_space<vmem>>) dst(%dma_wait3A_41 : memref<2048xi32, #tpu.memory_space<vmem_shared>>)
      tpu.yield
    }) : () -> ()
    %add3A_24 = arith.constant 4096 : i32
    %add3A_25 = arith.addi %mul3A_19, %add3A_24 : i32
    "tpu.region"() ({
      %run_scoped3A = tpu.sem_alloc : memref<!tpu.dma_semaphore, #tpu.memory_space<semaphore_mem>>
      %dma_start3A_38 = tpu.memref_slice %arg4[%add3A_25] : memref<102400xi32, #tpu.memory_space<vmem_shared>> -> memref<2048xi32, #tpu.memory_space<vmem_shared>>
      %dma_start3A_39 = tpu.memref_slice %arg4[%add3A_25] : memref<102400xi32, #tpu.memory_space<vmem_shared>> -> memref<2048xi32, #tpu.memory_space<vmem_shared>>
      tpu.enqueue_dma source(%arg7 : memref<2048xi32, #tpu.memory_space<vmem>>) target(%dma_start3A_39 : memref<2048xi32, #tpu.memory_space<vmem_shared>>) target_semaphore(%run_scoped3A : memref<!tpu.dma_semaphore, #tpu.memory_space<semaphore_mem>>)
      %dma_wait3A_40 = tpu.memref_slice %arg4[%add3A_25] : memref<102400xi32, #tpu.memory_space<vmem_shared>> -> memref<2048xi32, #tpu.memory_space<vmem_shared>>
      %dma_wait3A_41 = tpu.memref_slice %arg4[%add3A_25] : memref<102400xi32, #tpu.memory_space<vmem_shared>> -> memref<2048xi32, #tpu.memory_space<vmem_shared>>
      tpu.wait_dma2 semaphore(%run_scoped3A : memref<!tpu.dma_semaphore, #tpu.memory_space<semaphore_mem>>) src(%arg7 : memref<2048xi32, #tpu.memory_space<vmem>>) dst(%dma_wait3A_41 : memref<2048xi32, #tpu.memory_space<vmem_shared>>)
      tpu.yield
    }) : () -> ()
    %add3A_26 = arith.constant 6144 : i32
    %add3A_27 = arith.addi %mul3A_19, %add3A_26 : i32
    "tpu.region"() ({
      %run_scoped3A = tpu.sem_alloc : memref<!tpu.dma_semaphore, #tpu.memory_space<semaphore_mem>>
      %dma_start3A_38 = arith.constant 0 : i32
      %dma_start3A_39 = tpu.memref_slice %arg7[%dma_start3A_38] : memref<2048xi32, #tpu.memory_space<vmem>> -> memref<256xi32, #tpu.memory_space<vmem>>
      %dma_start3A_40 = tpu.memref_slice %arg4[%add3A_27] : memref<102400xi32, #tpu.memory_space<vmem_shared>> -> memref<256xi32, #tpu.memory_space<vmem_shared>>
      %dma_start3A_41 = tpu.memref_slice %arg4[%add3A_27] : memref<102400xi32, #tpu.memory_space<vmem_shared>> -> memref<256xi32, #tpu.memory_space<vmem_shared>>
      %dma_start3A_42 = arith.constant 0 : i32
      %dma_start3A_43 = tpu.memref_slice %arg7[%dma_start3A_42] : memref<2048xi32, #tpu.memory_space<vmem>> -> memref<256xi32, #tpu.memory_space<vmem>>
      tpu.enqueue_dma source(%dma_start3A_43 : memref<256xi32, #tpu.memory_space<vmem>>) target(%dma_start3A_41 : memref<256xi32, #tpu.memory_space<vmem_shared>>) target_semaphore(%run_scoped3A : memref<!tpu.dma_semaphore, #tpu.memory_space<semaphore_mem>>)
      %dma_wait3A_44 = arith.constant 0 : i32
      %dma_wait3A_45 = tpu.memref_slice %arg7[%dma_wait3A_44] : memref<2048xi32, #tpu.memory_space<vmem>> -> memref<256xi32, #tpu.memory_space<vmem>>
      %dma_wait3A_46 = tpu.memref_slice %arg4[%add3A_27] : memref<102400xi32, #tpu.memory_space<vmem_shared>> -> memref<256xi32, #tpu.memory_space<vmem_shared>>
      %dma_wait3A_47 = tpu.memref_slice %arg4[%add3A_27] : memref<102400xi32, #tpu.memory_space<vmem_shared>> -> memref<256xi32, #tpu.memory_space<vmem_shared>>
      %dma_wait3A_48 = arith.constant 0 : i32
      %dma_wait3A_49 = tpu.memref_slice %arg7[%dma_wait3A_48] : memref<2048xi32, #tpu.memory_space<vmem>> -> memref<256xi32, #tpu.memory_space<vmem>>
      tpu.wait_dma2 semaphore(%run_scoped3A : memref<!tpu.dma_semaphore, #tpu.memory_space<semaphore_mem>>) src(%dma_wait3A_49 : memref<256xi32, #tpu.memory_space<vmem>>) dst(%dma_wait3A_47 : memref<256xi32, #tpu.memory_space<vmem_shared>>)
      tpu.yield
    }) : () -> ()
    %barrier3A = arith.constant 0 : index
    tpu.barrier barrier_id(%barrier3A)
    %scan3A_28 = arith.constant 0 : i32
    %scan3A_29 = arith.constant 0 : i32
    %scan3A_30 = arith.constant 25 : i32
    %scan3A_31 = arith.addi %scan3A_29, %scan3A_30 : i32
    %scan3A_32 = arith.constant 1 : i32
    scf.for %scan3A_38 = %scan3A_29 to %scan3A_31 step %scan3A_32  : i32 {
      %mul3A_39 = arith.constant 2 : i32
      %mul3A_40 = arith.muli %scan3A_38, %mul3A_39 : i32
      %add3A_41 = arith.constant 0 : i32
      %add3A_42 = arith.addi %mul3A_40, %add3A_41 : i32
      %dma_wait3A_43 = arith.constant 0 : i32
      %dma_wait3A_44 = arith.constant 0 : i32
      %dma_wait3A_45 = tpu.memref_slice %arg2[%dma_wait3A_43, %dma_wait3A_44] : memref<2x1638400xi32, #tpu.memory_space<hbm>> -> memref<2x2048xi32, #tpu.memory_space<hbm>>
      %dma_wait3A_46 = arith.constant 0 : i32
      %dma_wait3A_47 = arith.constant 0 : i32
      %dma_wait3A_48 = tpu.memref_slice %arg2[%dma_wait3A_46, %dma_wait3A_47] : memref<2x1638400xi32, #tpu.memory_space<hbm>> -> memref<2x2048xi32, #tpu.memory_space<hbm>>
      tpu.wait_dma2 semaphore(%arg11 : memref<!tpu.dma_semaphore, #tpu.memory_space<semaphore_mem>>) src(%dma_wait3A_48 : memref<2x2048xi32, #tpu.memory_space<hbm>>) dst(%arg5 : memref<2x2048xi32, #tpu.memory_space<vmem>>)
      %gt3A = arith.constant 0 : i32
      %gt3A_49 = arith.cmpi sgt, %scan3A_38, %gt3A : i32
      %convert_element_type3A = arith.extui %gt3A_49 : i1 to i32
      %cond3A = arith.constant 0 : i32
      %cond3A_50 = arith.cmpi ne, %convert_element_type3A, %cond3A : i32
      scf.if %cond3A_50 {
        %dma_wait3A_95 = arith.constant 0 : i32
        %dma_wait3A_96 = tpu.memref_slice %arg4[%dma_wait3A_95] : memref<102400xi32, #tpu.memory_space<vmem_shared>> -> memref<102400xi32, #tpu.memory_space<vmem_shared>>
        tpu.wait_indirect_dma semaphore(%arg13 : memref<!tpu.dma_semaphore, #tpu.memory_space<semaphore_mem>>) src(%arg7 : memref<2048xi32, #tpu.memory_space<vmem>>) dst(%dma_wait3A_96 : memref<102400xi32, #tpu.memory_space<vmem_shared>>)
      } else {
      }
      %scan3A_51 = arith.constant 0 : i32
      %scan3A_52 = arith.constant 0 : i32
      %scan3A_53 = arith.constant 32 : i32
      %scan3A_54 = arith.addi %scan3A_52, %scan3A_53 : i32
      %scan3A_55 = arith.constant 1 : i32
      scf.for %scan3A_95 = %scan3A_52 to %scan3A_54 step %scan3A_55  : i32 {
        %mul3A_96 = arith.constant 64 : i32
        %mul3A_97 = arith.muli %scan3A_95, %mul3A_96 : i32
        %add3A_98 = arith.constant 0 : i32
        %add3A_99 = arith.addi %mul3A_97, %add3A_98 : i32
        %get3A = arith.constant 0 : i32
        %get3A_100 = arith.index_cast %get3A : i32 to index
        %get3A_101 = arith.index_cast %add3A_99 : i32 to index
        %get3A_102 = tpu.vector_load %arg5[%get3A_100, %get3A_101] {strides = array<i32>} : memref<2x2048xi32, #tpu.memory_space<vmem>>, vector<1x16xi32>,
        %get3A_103 = vector.shape_cast %get3A_102 : vector<1x16xi32> to vector<16xi32>
        %get3A_104 = arith.constant 1 : i32
        %get3A_105 = arith.index_cast %get3A_104 : i32 to index
        %get3A_106 = arith.index_cast %add3A_99 : i32 to index
        %get3A_107 = tpu.vector_load %arg5[%get3A_105, %get3A_106] {strides = array<i32>} : memref<2x2048xi32, #tpu.memory_space<vmem>>, vector<1x16xi32>,
        %get3A_108 = vector.shape_cast %get3A_107 : vector<1x16xi32> to vector<16xi32>
        %ne3A = arith.cmpi ne, %get3A_103, %get3A_108 : vector<16xi32>
        %jit3A = arith.constant 1 : i32
        %jit3A_109 = arith.constant 0 : i32
        %broadcast_in_dim3A = vector.broadcast %jit3A : i32 to vector<16xi32>
        %broadcast_in_dim3A_110 = vector.broadcast %jit3A_109 : i32 to vector<16xi32>
        %select_n3A = arith.select %ne3A, %broadcast_in_dim3A, %broadcast_in_dim3A_110 : vector<16xi1>, vector<16xi32>
        %swap3A = arith.index_cast %add3A_99 : i32 to index
        %swap3A_111 = tpu.vector_load %arg7[%swap3A] {strides = array<i32>} : memref<2048xi32, #tpu.memory_space<vmem>>, vector<16xi32>,
        %swap3A_112 = vector.shape_cast %swap3A_111 : vector<16xi32> to vector<16xi32>
        %swap3A_113 = vector.shape_cast %select_n3A : vector<16xi32> to vector<16xi32>
        tpu.vector_store %arg7[%swap3A], %swap3A_113 {strides = array<i32>} : memref<2048xi32, #tpu.memory_space<vmem>>, vector<16xi32>,
        %eq3A = arith.constant 0 : i32
        %eq3A_114 = arith.cmpi eq, %arg0, %eq3A : i32
        %select_n3A_115 = arith.select %eq3A_114, %get3A_108, %get3A_103 : vector<16xi32>
        %swap3A_116 = arith.index_cast %add3A_99 : i32 to index
        %swap3A_117 = tpu.vector_load %arg6[%swap3A_116] {strides = array<i32>} : memref<2048xi32, #tpu.memory_space<vmem>>, vector<16xi32>,
        %swap3A_118 = vector.shape_cast %swap3A_117 : vector<16xi32> to vector<16xi32>
        %swap3A_119 = vector.shape_cast %select_n3A_115 : vector<16xi32> to vector<16xi32>
        tpu.vector_store %arg6[%swap3A_116], %swap3A_119 {strides = array<i32>} : memref<2048xi32, #tpu.memory_space<vmem>>, vector<16xi32>,
        %mul3A_120 = arith.constant 64 : i32
        %mul3A_121 = arith.muli %scan3A_95, %mul3A_120 : i32
        %add3A_122 = arith.constant 16 : i32
        %add3A_123 = arith.addi %mul3A_121, %add3A_122 : i32
        %get3A_124 = arith.constant 0 : i32
        %get3A_125 = arith.index_cast %get3A_124 : i32 to index
        %get3A_126 = arith.index_cast %add3A_123 : i32 to index
        %get3A_127 = tpu.vector_load %arg5[%get3A_125, %get3A_126] {strides = array<i32>} : memref<2x2048xi32, #tpu.memory_space<vmem>>, vector<1x16xi32>,
        %get3A_128 = vector.shape_cast %get3A_127 : vector<1x16xi32> to vector<16xi32>
        %get3A_129 = arith.constant 1 : i32
        %get3A_130 = arith.index_cast %get3A_129 : i32 to index
        %get3A_131 = arith.index_cast %add3A_123 : i32 to index
        %get3A_132 = tpu.vector_load %arg5[%get3A_130, %get3A_131] {strides = array<i32>} : memref<2x2048xi32, #tpu.memory_space<vmem>>, vector<1x16xi32>,
        %get3A_133 = vector.shape_cast %get3A_132 : vector<1x16xi32> to vector<16xi32>
        %ne3A_134 = arith.cmpi ne, %get3A_128, %get3A_133 : vector<16xi32>
        %jit3A_135 = arith.constant 1 : i32
        %jit3A_136 = arith.constant 0 : i32
        %broadcast_in_dim3A_137 = vector.broadcast %jit3A_135 : i32 to vector<16xi32>
        %broadcast_in_dim3A_138 = vector.broadcast %jit3A_136 : i32 to vector<16xi32>
        %select_n3A_139 = arith.select %ne3A_134, %broadcast_in_dim3A_137, %broadcast_in_dim3A_138 : vector<16xi1>, vector<16xi32>
        %swap3A_140 = arith.index_cast %add3A_123 : i32 to index
        %swap3A_141 = tpu.vector_load %arg7[%swap3A_140] {strides = array<i32>} : memref<2048xi32, #tpu.memory_space<vmem>>, vector<16xi32>,
        %swap3A_142 = vector.shape_cast %swap3A_141 : vector<16xi32> to vector<16xi32>
        %swap3A_143 = vector.shape_cast %select_n3A_139 : vector<16xi32> to vector<16xi32>
        tpu.vector_store %arg7[%swap3A_140], %swap3A_143 {strides = array<i32>} : memref<2048xi32, #tpu.memory_space<vmem>>, vector<16xi32>,
        %eq3A_144 = arith.constant 0 : i32
        %eq3A_145 = arith.cmpi eq, %arg0, %eq3A_144 : i32
        %select_n3A_146 = arith.select %eq3A_145, %get3A_133, %get3A_128 : vector<16xi32>
        %swap3A_147 = arith.index_cast %add3A_123 : i32 to index
        %swap3A_148 = tpu.vector_load %arg6[%swap3A_147] {strides = array<i32>} : memref<2048xi32, #tpu.memory_space<vmem>>, vector<16xi32>,
        %swap3A_149 = vector.shape_cast %swap3A_148 : vector<16xi32> to vector<16xi32>
        %swap3A_150 = vector.shape_cast %select_n3A_146 : vector<16xi32> to vector<16xi32>
        tpu.vector_store %arg6[%swap3A_147], %swap3A_150 {strides = array<i32>} : memref<2048xi32, #tpu.memory_space<vmem>>, vector<16xi32>,
        %mul3A_151 = arith.constant 64 : i32
        %mul3A_152 = arith.muli %scan3A_95, %mul3A_151 : i32
        %add3A_153 = arith.constant 32 : i32
        %add3A_154 = arith.addi %mul3A_152, %add3A_153 : i32
        %get3A_155 = arith.constant 0 : i32
        %get3A_156 = arith.index_cast %get3A_155 : i32 to index
        %get3A_157 = arith.index_cast %add3A_154 : i32 to index
        %get3A_158 = tpu.vector_load %arg5[%get3A_156, %get3A_157] {strides = array<i32>} : memref<2x2048xi32, #tpu.memory_space<vmem>>, vector<1x16xi32>,
        %get3A_159 = vector.shape_cast %get3A_158 : vector<1x16xi32> to vector<16xi32>
        %get3A_160 = arith.constant 1 : i32
        %get3A_161 = arith.index_cast %get3A_160 : i32 to index
        %get3A_162 = arith.index_cast %add3A_154 : i32 to index
        %get3A_163 = tpu.vector_load %arg5[%get3A_161, %get3A_162] {strides = array<i32>} : memref<2x2048xi32, #tpu.memory_space<vmem>>, vector<1x16xi32>,
        %get3A_164 = vector.shape_cast %get3A_163 : vector<1x16xi32> to vector<16xi32>
        %ne3A_165 = arith.cmpi ne, %get3A_159, %get3A_164 : vector<16xi32>
        %jit3A_166 = arith.constant 1 : i32
        %jit3A_167 = arith.constant 0 : i32
        %broadcast_in_dim3A_168 = vector.broadcast %jit3A_166 : i32 to vector<16xi32>
        %broadcast_in_dim3A_169 = vector.broadcast %jit3A_167 : i32 to vector<16xi32>
        %select_n3A_170 = arith.select %ne3A_165, %broadcast_in_dim3A_168, %broadcast_in_dim3A_169 : vector<16xi1>, vector<16xi32>
        %swap3A_171 = arith.index_cast %add3A_154 : i32 to index
        %swap3A_172 = tpu.vector_load %arg7[%swap3A_171] {strides = array<i32>} : memref<2048xi32, #tpu.memory_space<vmem>>, vector<16xi32>,
        %swap3A_173 = vector.shape_cast %swap3A_172 : vector<16xi32> to vector<16xi32>
        %swap3A_174 = vector.shape_cast %select_n3A_170 : vector<16xi32> to vector<16xi32>
        tpu.vector_store %arg7[%swap3A_171], %swap3A_174 {strides = array<i32>} : memref<2048xi32, #tpu.memory_space<vmem>>, vector<16xi32>,
        %eq3A_175 = arith.constant 0 : i32
        %eq3A_176 = arith.cmpi eq, %arg0, %eq3A_175 : i32
        %select_n3A_177 = arith.select %eq3A_176, %get3A_164, %get3A_159 : vector<16xi32>
        %swap3A_178 = arith.index_cast %add3A_154 : i32 to index
        %swap3A_179 = tpu.vector_load %arg6[%swap3A_178] {strides = array<i32>} : memref<2048xi32, #tpu.memory_space<vmem>>, vector<16xi32>,
        %swap3A_180 = vector.shape_cast %swap3A_179 : vector<16xi32> to vector<16xi32>
        %swap3A_181 = vector.shape_cast %select_n3A_177 : vector<16xi32> to vector<16xi32>
        tpu.vector_store %arg6[%swap3A_178], %swap3A_181 {strides = array<i32>} : memref<2048xi32, #tpu.memory_space<vmem>>, vector<16xi32>,
        %mul3A_182 = arith.constant 64 : i32
        %mul3A_183 = arith.muli %scan3A_95, %mul3A_182 : i32
        %add3A_184 = arith.constant 48 : i32
        %add3A_185 = arith.addi %mul3A_183, %add3A_184 : i32
        %get3A_186 = arith.constant 0 : i32
        %get3A_187 = arith.index_cast %get3A_186 : i32 to index
        %get3A_188 = arith.index_cast %add3A_185 : i32 to index
        %get3A_189 = tpu.vector_load %arg5[%get3A_187, %get3A_188] {strides = array<i32>} : memref<2x2048xi32, #tpu.memory_space<vmem>>, vector<1x16xi32>,
        %get3A_190 = vector.shape_cast %get3A_189 : vector<1x16xi32> to vector<16xi32>
        %get3A_191 = arith.constant 1 : i32
        %get3A_192 = arith.index_cast %get3A_191 : i32 to index
        %get3A_193 = arith.index_cast %add3A_185 : i32 to index
        %get3A_194 = tpu.vector_load %arg5[%get3A_192, %get3A_193] {strides = array<i32>} : memref<2x2048xi32, #tpu.memory_space<vmem>>, vector<1x16xi32>,
        %get3A_195 = vector.shape_cast %get3A_194 : vector<1x16xi32> to vector<16xi32>
        %ne3A_196 = arith.cmpi ne, %get3A_190, %get3A_195 : vector<16xi32>
        %jit3A_197 = arith.constant 1 : i32
        %jit3A_198 = arith.constant 0 : i32
        %broadcast_in_dim3A_199 = vector.broadcast %jit3A_197 : i32 to vector<16xi32>
        %broadcast_in_dim3A_200 = vector.broadcast %jit3A_198 : i32 to vector<16xi32>
        %select_n3A_201 = arith.select %ne3A_196, %broadcast_in_dim3A_199, %broadcast_in_dim3A_200 : vector<16xi1>, vector<16xi32>
        %swap3A_202 = arith.index_cast %add3A_185 : i32 to index
        %swap3A_203 = tpu.vector_load %arg7[%swap3A_202] {strides = array<i32>} : memref<2048xi32, #tpu.memory_space<vmem>>, vector<16xi32>,
        %swap3A_204 = vector.shape_cast %swap3A_203 : vector<16xi32> to vector<16xi32>
        %swap3A_205 = vector.shape_cast %select_n3A_201 : vector<16xi32> to vector<16xi32>
        tpu.vector_store %arg7[%swap3A_202], %swap3A_205 {strides = array<i32>} : memref<2048xi32, #tpu.memory_space<vmem>>, vector<16xi32>,
        %eq3A_206 = arith.constant 0 : i32
        %eq3A_207 = arith.cmpi eq, %arg0, %eq3A_206 : i32
        %select_n3A_208 = arith.select %eq3A_207, %get3A_195, %get3A_190 : vector<16xi32>
        %swap3A_209 = arith.index_cast %add3A_185 : i32 to index
        %swap3A_210 = tpu.vector_load %arg6[%swap3A_209] {strides = array<i32>} : memref<2048xi32, #tpu.memory_space<vmem>>, vector<16xi32>,
        %swap3A_211 = vector.shape_cast %swap3A_210 : vector<16xi32> to vector<16xi32>
        %swap3A_212 = vector.shape_cast %select_n3A_208 : vector<16xi32> to vector<16xi32>
        tpu.vector_store %arg6[%swap3A_209], %swap3A_212 {strides = array<i32>} : memref<2048xi32, #tpu.memory_space<vmem>>, vector<16xi32>,
      }
      %scan3A_56 = arith.constant 32 : i32
      %dma_start3A_57 = arith.constant 0 : i32
      %dma_start3A_58 = tpu.memref_slice %arg4[%dma_start3A_57] : memref<102400xi32, #tpu.memory_space<vmem_shared>> -> memref<102400xi32, #tpu.memory_space<vmem_shared>>
      tpu.enqueue_indirect_dma source(%arg7 : memref<2048xi32, #tpu.memory_space<vmem>>) target(%dma_start3A_58 : memref<102400xi32, #tpu.memory_space<vmem_shared>>) offsets(%arg6 : memref<2048xi32, #tpu.memory_space<vmem>>) semaphore(%arg13 : memref<!tpu.dma_semaphore, #tpu.memory_space<semaphore_mem>>) {add = true}
      %add3A_59 = arith.constant 2 : i32
      %add3A_60 = arith.addi %add3A_42, %add3A_59 : i32
      %lt3A = arith.constant 50 : i32
      %lt3A_61 = arith.cmpi slt, %add3A_60, %lt3A : i32
      %convert_element_type3A_62 = arith.extui %lt3A_61 : i1 to i32
      %cond3A_63 = arith.constant 0 : i32
      %cond3A_64 = arith.cmpi ne, %convert_element_type3A_62, %cond3A_63 : i32
      scf.if %cond3A_64 {
        %add3A_95 = arith.constant 2 : i32
        %add3A_96 = arith.addi %add3A_42, %add3A_95 : i32
        %mul3A_97 = arith.constant 102400 : i32
        %mul3A_98 = arith.muli %arg1, %mul3A_97 : i32
        %mul3A_99 = arith.constant 2048 : i32
        %mul3A_100 = arith.muli %add3A_96, %mul3A_99 : i32
        %add3A_101 = arith.addi %mul3A_98, %mul3A_100 : i32
        %dma_start3A_102 = arith.constant 0 : i32
        %dma_start3A_103 = tpu.memref_slice %arg2[%dma_start3A_102, %add3A_101] : memref<2x1638400xi32, #tpu.memory_space<hbm>> -> memref<2x2048xi32, #tpu.memory_space<hbm>>
        %dma_start3A_104 = arith.constant 0 : i32
        %dma_start3A_105 = tpu.memref_slice %arg2[%dma_start3A_104, %add3A_101] : memref<2x1638400xi32, #tpu.memory_space<hbm>> -> memref<2x2048xi32, #tpu.memory_space<hbm>>
        tpu.enqueue_dma source(%dma_start3A_105 : memref<2x2048xi32, #tpu.memory_space<hbm>>) target(%arg5 : memref<2x2048xi32, #tpu.memory_space<vmem>>) target_semaphore(%arg11 : memref<!tpu.dma_semaphore, #tpu.memory_space<semaphore_mem>>)
      } else {
      }
      %mul3A_65 = arith.constant 2 : i32
      %mul3A_66 = arith.muli %scan3A_38, %mul3A_65 : i32
      %add3A_67 = arith.constant 1 : i32
      %add3A_68 = arith.addi %mul3A_66, %add3A_67 : i32
      %dma_wait3A_69 = arith.constant 0 : i32
      %dma_wait3A_70 = arith.constant 0 : i32
      %dma_wait3A_71 = tpu.memref_slice %arg2[%dma_wait3A_69, %dma_wait3A_70] : memref<2x1638400xi32, #tpu.memory_space<hbm>> -> memref<2x2048xi32, #tpu.memory_space<hbm>>
      %dma_wait3A_72 = arith.constant 0 : i32
      %dma_wait3A_73 = arith.constant 0 : i32
      %dma_wait3A_74 = tpu.memref_slice %arg2[%dma_wait3A_72, %dma_wait3A_73] : memref<2x1638400xi32, #tpu.memory_space<hbm>> -> memref<2x2048xi32, #tpu.memory_space<hbm>>
      tpu.wait_dma2 semaphore(%arg12 : memref<!tpu.dma_semaphore, #tpu.memory_space<semaphore_mem>>) src(%dma_wait3A_74 : memref<2x2048xi32, #tpu.memory_space<hbm>>) dst(%arg8 : memref<2x2048xi32, #tpu.memory_space<vmem>>)
      %gt3A_75 = arith.constant 0 : i32
      %gt3A_76 = arith.cmpi sgt, %scan3A_38, %gt3A_75 : i32
      %convert_element_type3A_77 = arith.extui %gt3A_76 : i1 to i32
      %cond3A_78 = arith.constant 0 : i32
      %cond3A_79 = arith.cmpi ne, %convert_element_type3A_77, %cond3A_78 : i32
      scf.if %cond3A_79 {
        %dma_wait3A_95 = arith.constant 0 : i32
        %dma_wait3A_96 = tpu.memref_slice %arg4[%dma_wait3A_95] : memref<102400xi32, #tpu.memory_space<vmem_shared>> -> memref<102400xi32, #tpu.memory_space<vmem_shared>>
        tpu.wait_indirect_dma semaphore(%arg14 : memref<!tpu.dma_semaphore, #tpu.memory_space<semaphore_mem>>) src(%arg10 : memref<2048xi32, #tpu.memory_space<vmem>>) dst(%dma_wait3A_96 : memref<102400xi32, #tpu.memory_space<vmem_shared>>)
      } else {
      }
      %scan3A_80 = arith.constant 0 : i32
      %scan3A_81 = arith.constant 0 : i32
      %scan3A_82 = arith.constant 32 : i32
      %scan3A_83 = arith.addi %scan3A_81, %scan3A_82 : i32
      %scan3A_84 = arith.constant 1 : i32
      scf.for %scan3A_95 = %scan3A_81 to %scan3A_83 step %scan3A_84  : i32 {
        %mul3A_96 = arith.constant 64 : i32
        %mul3A_97 = arith.muli %scan3A_95, %mul3A_96 : i32
        %add3A_98 = arith.constant 0 : i32
        %add3A_99 = arith.addi %mul3A_97, %add3A_98 : i32
        %get3A = arith.constant 0 : i32
        %get3A_100 = arith.index_cast %get3A : i32 to index
        %get3A_101 = arith.index_cast %add3A_99 : i32 to index
        %get3A_102 = tpu.vector_load %arg8[%get3A_100, %get3A_101] {strides = array<i32>} : memref<2x2048xi32, #tpu.memory_space<vmem>>, vector<1x16xi32>,
        %get3A_103 = vector.shape_cast %get3A_102 : vector<1x16xi32> to vector<16xi32>
        %get3A_104 = arith.constant 1 : i32
        %get3A_105 = arith.index_cast %get3A_104 : i32 to index
        %get3A_106 = arith.index_cast %add3A_99 : i32 to index
        %get3A_107 = tpu.vector_load %arg8[%get3A_105, %get3A_106] {strides = array<i32>} : memref<2x2048xi32, #tpu.memory_space<vmem>>, vector<1x16xi32>,
        %get3A_108 = vector.shape_cast %get3A_107 : vector<1x16xi32> to vector<16xi32>
        %ne3A = arith.cmpi ne, %get3A_103, %get3A_108 : vector<16xi32>
        %jit3A = arith.constant 1 : i32
        %jit3A_109 = arith.constant 0 : i32
        %broadcast_in_dim3A = vector.broadcast %jit3A : i32 to vector<16xi32>
        %broadcast_in_dim3A_110 = vector.broadcast %jit3A_109 : i32 to vector<16xi32>
        %select_n3A = arith.select %ne3A, %broadcast_in_dim3A, %broadcast_in_dim3A_110 : vector<16xi1>, vector<16xi32>
        %swap3A = arith.index_cast %add3A_99 : i32 to index
        %swap3A_111 = tpu.vector_load %arg10[%swap3A] {strides = array<i32>} : memref<2048xi32, #tpu.memory_space<vmem>>, vector<16xi32>,
        %swap3A_112 = vector.shape_cast %swap3A_111 : vector<16xi32> to vector<16xi32>
        %swap3A_113 = vector.shape_cast %select_n3A : vector<16xi32> to vector<16xi32>
        tpu.vector_store %arg10[%swap3A], %swap3A_113 {strides = array<i32>} : memref<2048xi32, #tpu.memory_space<vmem>>, vector<16xi32>,
        %eq3A = arith.constant 0 : i32
        %eq3A_114 = arith.cmpi eq, %arg0, %eq3A : i32
        %select_n3A_115 = arith.select %eq3A_114, %get3A_108, %get3A_103 : vector<16xi32>
        %swap3A_116 = arith.index_cast %add3A_99 : i32 to index
        %swap3A_117 = tpu.vector_load %arg9[%swap3A_116] {strides = array<i32>} : memref<2048xi32, #tpu.memory_space<vmem>>, vector<16xi32>,
        %swap3A_118 = vector.shape_cast %swap3A_117 : vector<16xi32> to vector<16xi32>
        %swap3A_119 = vector.shape_cast %select_n3A_115 : vector<16xi32> to vector<16xi32>
        tpu.vector_store %arg9[%swap3A_116], %swap3A_119 {strides = array<i32>} : memref<2048xi32, #tpu.memory_space<vmem>>, vector<16xi32>,
        %mul3A_120 = arith.constant 64 : i32
        %mul3A_121 = arith.muli %scan3A_95, %mul3A_120 : i32
        %add3A_122 = arith.constant 16 : i32
        %add3A_123 = arith.addi %mul3A_121, %add3A_122 : i32
        %get3A_124 = arith.constant 0 : i32
        %get3A_125 = arith.index_cast %get3A_124 : i32 to index
        %get3A_126 = arith.index_cast %add3A_123 : i32 to index
        %get3A_127 = tpu.vector_load %arg8[%get3A_125, %get3A_126] {strides = array<i32>} : memref<2x2048xi32, #tpu.memory_space<vmem>>, vector<1x16xi32>,
        %get3A_128 = vector.shape_cast %get3A_127 : vector<1x16xi32> to vector<16xi32>
        %get3A_129 = arith.constant 1 : i32
        %get3A_130 = arith.index_cast %get3A_129 : i32 to index
        %get3A_131 = arith.index_cast %add3A_123 : i32 to index
        %get3A_132 = tpu.vector_load %arg8[%get3A_130, %get3A_131] {strides = array<i32>} : memref<2x2048xi32, #tpu.memory_space<vmem>>, vector<1x16xi32>,
        %get3A_133 = vector.shape_cast %get3A_132 : vector<1x16xi32> to vector<16xi32>
        %ne3A_134 = arith.cmpi ne, %get3A_128, %get3A_133 : vector<16xi32>
        %jit3A_135 = arith.constant 1 : i32
        %jit3A_136 = arith.constant 0 : i32
        %broadcast_in_dim3A_137 = vector.broadcast %jit3A_135 : i32 to vector<16xi32>
        %broadcast_in_dim3A_138 = vector.broadcast %jit3A_136 : i32 to vector<16xi32>
        %select_n3A_139 = arith.select %ne3A_134, %broadcast_in_dim3A_137, %broadcast_in_dim3A_138 : vector<16xi1>, vector<16xi32>
        %swap3A_140 = arith.index_cast %add3A_123 : i32 to index
        %swap3A_141 = tpu.vector_load %arg10[%swap3A_140] {strides = array<i32>} : memref<2048xi32, #tpu.memory_space<vmem>>, vector<16xi32>,
        %swap3A_142 = vector.shape_cast %swap3A_141 : vector<16xi32> to vector<16xi32>
        %swap3A_143 = vector.shape_cast %select_n3A_139 : vector<16xi32> to vector<16xi32>
        tpu.vector_store %arg10[%swap3A_140], %swap3A_143 {strides = array<i32>} : memref<2048xi32, #tpu.memory_space<vmem>>, vector<16xi32>,
        %eq3A_144 = arith.constant 0 : i32
        %eq3A_145 = arith.cmpi eq, %arg0, %eq3A_144 : i32
        %select_n3A_146 = arith.select %eq3A_145, %get3A_133, %get3A_128 : vector<16xi32>
        %swap3A_147 = arith.index_cast %add3A_123 : i32 to index
        %swap3A_148 = tpu.vector_load %arg9[%swap3A_147] {strides = array<i32>} : memref<2048xi32, #tpu.memory_space<vmem>>, vector<16xi32>,
        %swap3A_149 = vector.shape_cast %swap3A_148 : vector<16xi32> to vector<16xi32>
        %swap3A_150 = vector.shape_cast %select_n3A_146 : vector<16xi32> to vector<16xi32>
        tpu.vector_store %arg9[%swap3A_147], %swap3A_150 {strides = array<i32>} : memref<2048xi32, #tpu.memory_space<vmem>>, vector<16xi32>,
        %mul3A_151 = arith.constant 64 : i32
        %mul3A_152 = arith.muli %scan3A_95, %mul3A_151 : i32
        %add3A_153 = arith.constant 32 : i32
        %add3A_154 = arith.addi %mul3A_152, %add3A_153 : i32
        %get3A_155 = arith.constant 0 : i32
        %get3A_156 = arith.index_cast %get3A_155 : i32 to index
        %get3A_157 = arith.index_cast %add3A_154 : i32 to index
        %get3A_158 = tpu.vector_load %arg8[%get3A_156, %get3A_157] {strides = array<i32>} : memref<2x2048xi32, #tpu.memory_space<vmem>>, vector<1x16xi32>,
        %get3A_159 = vector.shape_cast %get3A_158 : vector<1x16xi32> to vector<16xi32>
        %get3A_160 = arith.constant 1 : i32
        %get3A_161 = arith.index_cast %get3A_160 : i32 to index
        %get3A_162 = arith.index_cast %add3A_154 : i32 to index
        %get3A_163 = tpu.vector_load %arg8[%get3A_161, %get3A_162] {strides = array<i32>} : memref<2x2048xi32, #tpu.memory_space<vmem>>, vector<1x16xi32>,
        %get3A_164 = vector.shape_cast %get3A_163 : vector<1x16xi32> to vector<16xi32>
        %ne3A_165 = arith.cmpi ne, %get3A_159, %get3A_164 : vector<16xi32>
        %jit3A_166 = arith.constant 1 : i32
        %jit3A_167 = arith.constant 0 : i32
        %broadcast_in_dim3A_168 = vector.broadcast %jit3A_166 : i32 to vector<16xi32>
        %broadcast_in_dim3A_169 = vector.broadcast %jit3A_167 : i32 to vector<16xi32>
        %select_n3A_170 = arith.select %ne3A_165, %broadcast_in_dim3A_168, %broadcast_in_dim3A_169 : vector<16xi1>, vector<16xi32>
        %swap3A_171 = arith.index_cast %add3A_154 : i32 to index
        %swap3A_172 = tpu.vector_load %arg10[%swap3A_171] {strides = array<i32>} : memref<2048xi32, #tpu.memory_space<vmem>>, vector<16xi32>,
        %swap3A_173 = vector.shape_cast %swap3A_172 : vector<16xi32> to vector<16xi32>
        %swap3A_174 = vector.shape_cast %select_n3A_170 : vector<16xi32> to vector<16xi32>
        tpu.vector_store %arg10[%swap3A_171], %swap3A_174 {strides = array<i32>} : memref<2048xi32, #tpu.memory_space<vmem>>, vector<16xi32>,
        %eq3A_175 = arith.constant 0 : i32
        %eq3A_176 = arith.cmpi eq, %arg0, %eq3A_175 : i32
        %select_n3A_177 = arith.select %eq3A_176, %get3A_164, %get3A_159 : vector<16xi32>
        %swap3A_178 = arith.index_cast %add3A_154 : i32 to index
        %swap3A_179 = tpu.vector_load %arg9[%swap3A_178] {strides = array<i32>} : memref<2048xi32, #tpu.memory_space<vmem>>, vector<16xi32>,
        %swap3A_180 = vector.shape_cast %swap3A_179 : vector<16xi32> to vector<16xi32>
        %swap3A_181 = vector.shape_cast %select_n3A_177 : vector<16xi32> to vector<16xi32>
        tpu.vector_store %arg9[%swap3A_178], %swap3A_181 {strides = array<i32>} : memref<2048xi32, #tpu.memory_space<vmem>>, vector<16xi32>,
        %mul3A_182 = arith.constant 64 : i32
        %mul3A_183 = arith.muli %scan3A_95, %mul3A_182 : i32
        %add3A_184 = arith.constant 48 : i32
        %add3A_185 = arith.addi %mul3A_183, %add3A_184 : i32
        %get3A_186 = arith.constant 0 : i32
        %get3A_187 = arith.index_cast %get3A_186 : i32 to index
        %get3A_188 = arith.index_cast %add3A_185 : i32 to index
        %get3A_189 = tpu.vector_load %arg8[%get3A_187, %get3A_188] {strides = array<i32>} : memref<2x2048xi32, #tpu.memory_space<vmem>>, vector<1x16xi32>,
        %get3A_190 = vector.shape_cast %get3A_189 : vector<1x16xi32> to vector<16xi32>
        %get3A_191 = arith.constant 1 : i32
        %get3A_192 = arith.index_cast %get3A_191 : i32 to index
        %get3A_193 = arith.index_cast %add3A_185 : i32 to index
        %get3A_194 = tpu.vector_load %arg8[%get3A_192, %get3A_193] {strides = array<i32>} : memref<2x2048xi32, #tpu.memory_space<vmem>>, vector<1x16xi32>,
        %get3A_195 = vector.shape_cast %get3A_194 : vector<1x16xi32> to vector<16xi32>
        %ne3A_196 = arith.cmpi ne, %get3A_190, %get3A_195 : vector<16xi32>
        %jit3A_197 = arith.constant 1 : i32
        %jit3A_198 = arith.constant 0 : i32
        %broadcast_in_dim3A_199 = vector.broadcast %jit3A_197 : i32 to vector<16xi32>
        %broadcast_in_dim3A_200 = vector.broadcast %jit3A_198 : i32 to vector<16xi32>
        %select_n3A_201 = arith.select %ne3A_196, %broadcast_in_dim3A_199, %broadcast_in_dim3A_200 : vector<16xi1>, vector<16xi32>
        %swap3A_202 = arith.index_cast %add3A_185 : i32 to index
        %swap3A_203 = tpu.vector_load %arg10[%swap3A_202] {strides = array<i32>} : memref<2048xi32, #tpu.memory_space<vmem>>, vector<16xi32>,
        %swap3A_204 = vector.shape_cast %swap3A_203 : vector<16xi32> to vector<16xi32>
        %swap3A_205 = vector.shape_cast %select_n3A_201 : vector<16xi32> to vector<16xi32>
        tpu.vector_store %arg10[%swap3A_202], %swap3A_205 {strides = array<i32>} : memref<2048xi32, #tpu.memory_space<vmem>>, vector<16xi32>,
        %eq3A_206 = arith.constant 0 : i32
        %eq3A_207 = arith.cmpi eq, %arg0, %eq3A_206 : i32
        %select_n3A_208 = arith.select %eq3A_207, %get3A_195, %get3A_190 : vector<16xi32>
        %swap3A_209 = arith.index_cast %add3A_185 : i32 to index
        %swap3A_210 = tpu.vector_load %arg9[%swap3A_209] {strides = array<i32>} : memref<2048xi32, #tpu.memory_space<vmem>>, vector<16xi32>,
        %swap3A_211 = vector.shape_cast %swap3A_210 : vector<16xi32> to vector<16xi32>
        %swap3A_212 = vector.shape_cast %select_n3A_208 : vector<16xi32> to vector<16xi32>
        tpu.vector_store %arg9[%swap3A_209], %swap3A_212 {strides = array<i32>} : memref<2048xi32, #tpu.memory_space<vmem>>, vector<16xi32>,
      }
      %scan3A_85 = arith.constant 32 : i32
      %dma_start3A_86 = arith.constant 0 : i32
      %dma_start3A_87 = tpu.memref_slice %arg4[%dma_start3A_86] : memref<102400xi32, #tpu.memory_space<vmem_shared>> -> memref<102400xi32, #tpu.memory_space<vmem_shared>>
      tpu.enqueue_indirect_dma source(%arg10 : memref<2048xi32, #tpu.memory_space<vmem>>) target(%dma_start3A_87 : memref<102400xi32, #tpu.memory_space<vmem_shared>>) offsets(%arg9 : memref<2048xi32, #tpu.memory_space<vmem>>) semaphore(%arg14 : memref<!tpu.dma_semaphore, #tpu.memory_space<semaphore_mem>>) {add = true}
      %add3A_88 = arith.constant 2 : i32
      %add3A_89 = arith.addi %add3A_68, %add3A_88 : i32
      %lt3A_90 = arith.constant 50 : i32
      %lt3A_91 = arith.cmpi slt, %add3A_89, %lt3A_90 : i32
      %convert_element_type3A_92 = arith.extui %lt3A_91 : i1 to i32
      %cond3A_93 = arith.constant 0 : i32
      %cond3A_94 = arith.cmpi ne, %convert_element_type3A_92, %cond3A_93 : i32
      scf.if %cond3A_94 {
        %add3A_95 = arith.constant 2 : i32
        %add3A_96 = arith.addi %add3A_68, %add3A_95 : i32
        %mul3A_97 = arith.constant 102400 : i32
        %mul3A_98 = arith.muli %arg1, %mul3A_97 : i32
        %mul3A_99 = arith.constant 2048 : i32
        %mul3A_100 = arith.muli %add3A_96, %mul3A_99 : i32
        %add3A_101 = arith.addi %mul3A_98, %mul3A_100 : i32
        %dma_start3A_102 = arith.constant 0 : i32
        %dma_start3A_103 = tpu.memref_slice %arg2[%dma_start3A_102, %add3A_101] : memref<2x1638400xi32, #tpu.memory_space<hbm>> -> memref<2x2048xi32, #tpu.memory_space<hbm>>
        %dma_start3A_104 = arith.constant 0 : i32
        %dma_start3A_105 = tpu.memref_slice %arg2[%dma_start3A_104, %add3A_101] : memref<2x1638400xi32, #tpu.memory_space<hbm>> -> memref<2x2048xi32, #tpu.memory_space<hbm>>
        tpu.enqueue_dma source(%dma_start3A_105 : memref<2x2048xi32, #tpu.memory_space<hbm>>) target(%arg8 : memref<2x2048xi32, #tpu.memory_space<vmem>>) target_semaphore(%arg12 : memref<!tpu.dma_semaphore, #tpu.memory_space<semaphore_mem>>)
      } else {
      }
    }
    %scan3A_33 = arith.constant 25 : i32
    %dma_wait3A = arith.constant 0 : i32
    %dma_wait3A_34 = tpu.memref_slice %arg4[%dma_wait3A] : memref<102400xi32, #tpu.memory_space<vmem_shared>> -> memref<102400xi32, #tpu.memory_space<vmem_shared>>
    tpu.wait_indirect_dma semaphore(%arg13 : memref<!tpu.dma_semaphore, #tpu.memory_space<semaphore_mem>>) src(%arg7 : memref<2048xi32, #tpu.memory_space<vmem>>) dst(%dma_wait3A_34 : memref<102400xi32, #tpu.memory_space<vmem_shared>>)
    %dma_wait3A_35 = arith.constant 0 : i32
    %dma_wait3A_36 = tpu.memref_slice %arg4[%dma_wait3A_35] : memref<102400xi32, #tpu.memory_space<vmem_shared>> -> memref<102400xi32, #tpu.memory_space<vmem_shared>>
    tpu.wait_indirect_dma semaphore(%arg14 : memref<!tpu.dma_semaphore, #tpu.memory_space<semaphore_mem>>) src(%arg10 : memref<2048xi32, #tpu.memory_space<vmem>>) dst(%dma_wait3A_36 : memref<102400xi32, #tpu.memory_space<vmem_shared>>)
    %barrier3A_37 = arith.constant 0 : index
    tpu.barrier barrier_id(%barrier3A_37)
    "tpu.region"() ({
      %run_scoped3A = tpu.sem_alloc : memref<!tpu.dma_semaphore, #tpu.memory_space<semaphore_mem>>
      %dma_start3A_38 = tpu.memref_slice %arg3[%arg0, %mul3A_19] : memref<2x102400xi32, #tpu.memory_space<hbm>> -> memref<1x6400xi32, #tpu.memory_space<hbm>>
      %dma_start3A_39 = tpu.memref_squeeze %dma_start3A_38 : memref<1x6400xi32, #tpu.memory_space<hbm>> -> memref<6400xi32, #tpu.memory_space<hbm>>
      %dma_start3A_40 = tpu.memref_slice %arg4[%mul3A_19] : memref<102400xi32, #tpu.memory_space<vmem_shared>> -> memref<6400xi32, #tpu.memory_space<vmem_shared>>
      tpu.enqueue_dma source(%dma_start3A_40 : memref<6400xi32, #tpu.memory_space<vmem_shared>>) target(%dma_start3A_39 : memref<6400xi32, #tpu.memory_space<hbm>>) target_semaphore(%run_scoped3A : memref<!tpu.dma_semaphore, #tpu.memory_space<semaphore_mem>>)
      %dma_wait3A_41 = tpu.memref_slice %arg3[%arg0, %mul3A_19] : memref<2x102400xi32, #tpu.memory_space<hbm>> -> memref<1x6400xi32, #tpu.memory_space<hbm>>
      %dma_wait3A_42 = tpu.memref_squeeze %dma_wait3A_41 : memref<1x6400xi32, #tpu.memory_space<hbm>> -> memref<6400xi32, #tpu.memory_space<hbm>>
      %dma_wait3A_43 = tpu.memref_slice %arg4[%mul3A_19] : memref<102400xi32, #tpu.memory_space<vmem_shared>> -> memref<6400xi32, #tpu.memory_space<vmem_shared>>
      tpu.wait_dma2 semaphore(%run_scoped3A : memref<!tpu.dma_semaphore, #tpu.memory_space<semaphore_mem>>) src(%dma_wait3A_43 : memref<6400xi32, #tpu.memory_space<vmem_shared>>) dst(%dma_wait3A_42 : memref<6400xi32, #tpu.memory_space<hbm>>)
      tpu.yield
    }) : () -> ()
    return
  }
}

module attributes {stable_mosaic.version = 14 : i64} {
  func.func @_tc_body(%arg0: i32, %arg1: memref<12800x34xf32, #tpu.memory_space<vmem>>, %arg2: memref<34x128xf32, #tpu.memory_space<vmem>>, %arg3: memref<1x128xf32, #tpu.memory_space<vmem>>, %arg4: memref<1x1x12800xi32, #tpu.memory_space<vmem>>, %arg5: memref<1x1x12800xi32, #tpu.memory_space<vmem>>, %arg6: memref<256x128xbf16, #tpu.memory_space<vmem>>, %arg7: memref<256x128xbf16, #tpu.memory_space<vmem>>, %arg8: memref<12800x128xf32, #tpu.memory_space<vmem>>) attributes {dimension_semantics = [#tpu.dimension_semantics<arbitrary>], iteration_bounds = array<i64: 8>, scalar_prefetch = 0 : i64, scratch_operands = 0 : i64, tpu.core_type = #tpu.core_type<tc>, window_params = [{transform_indices = @transform_0, window_bounds = array<i64: 12800, 34>}, {pipeline_mode = #tpu.pipeline_mode<synchronous>, transform_indices = @transform_1, window_bounds = array<i64: 34, 128>}, {pipeline_mode = #tpu.pipeline_mode<synchronous>, transform_indices = @transform_2, window_bounds = array<i64: 1, 128>}, {transform_indices = @transform_3, window_bounds = array<i64: 1, 1, 12800>}, {transform_indices = @transform_4, window_bounds = array<i64: 1, 1, 12800>}, {pipeline_mode = #tpu.pipeline_mode<synchronous>, transform_indices = @transform_5, window_bounds = array<i64: 256, 128>}, {pipeline_mode = #tpu.pipeline_mode<synchronous>, transform_indices = @transform_6, window_bounds = array<i64: 256, 128>}, {transform_indices = @transform_7, window_bounds = array<i64: 12800, 128>}]} {
    %get3A = arith.constant 0 : index
    %get3A_0 = arith.constant 0 : index
    %get3A_1 = vector.load %arg1[%get3A, %get3A_0] : memref<12800x34xf32, #tpu.memory_space<vmem>>, vector<12800x34xf32>
    %get3A_2 = arith.constant 0 : index
    %get3A_3 = arith.constant 0 : index
    %get3A_4 = vector.load %arg2[%get3A_2, %get3A_3] : memref<34x128xf32, #tpu.memory_space<vmem>>, vector<34x128xf32>
    %dot_general3A = arith.constant dense<0.000000e+00> : vector<12800x128xf32>
    %dot_general3A_5 = tpu.matmul %get3A_1, %get3A_4, %dot_general3A {dimension_numbers = #tpu.dot_dimension_numbers<[1], [0], [0], [1], [0, 0, 1, 1], [], []>, transpose_lhs_hint = false} : vector<12800x34xf32>, vector<34x128xf32>, vector<12800x128xf32> -> vector<12800x128xf32>
    %get3A_6 = arith.constant 0 : index
    %get3A_7 = arith.constant 0 : index
    %get3A_8 = vector.load %arg3[%get3A_6, %get3A_7] : memref<1x128xf32, #tpu.memory_space<vmem>>, vector<1x128xf32>
    %add3A = vector.broadcast %get3A_8 : vector<1x128xf32> to vector<12800x128xf32>
    %add3A_9 = arith.addf %dot_general3A_5, %add3A : vector<12800x128xf32>
    %iota3A = tpu.iota {dimensions = array<i32: 0>} : vector<256x12800xi32>
    %get3A_10 = arith.constant 0 : index
    %get3A_11 = arith.constant 0 : index
    %get3A_12 = arith.constant 0 : index
    %get3A_13 = vector.load %arg4[%get3A_10, %get3A_11, %get3A_12] : memref<1x1x12800xi32, #tpu.memory_space<vmem>>, vector<1x1x12800xi32>
    %get3A_14 = vector.shape_cast %get3A_13 : vector<1x1x12800xi32> to vector<1x12800xi32>
    %jit3A = arith.constant 0 : i32
    %jit3A_15 = arith.constant 255 : i32
    %max3A = vector.broadcast %jit3A : i32 to vector<1x12800xi32>
    %max3A_16 = arith.maxsi %max3A, %get3A_14 : vector<1x12800xi32>
    %min3A = vector.broadcast %jit3A_15 : i32 to vector<1x12800xi32>
    %min3A_17 = arith.minsi %min3A, %max3A_16 : vector<1x12800xi32>
    %get3A_18 = arith.constant 0 : index
    %get3A_19 = arith.constant 0 : index
    %get3A_20 = arith.constant 0 : index
    %get3A_21 = vector.load %arg5[%get3A_18, %get3A_19, %get3A_20] : memref<1x1x12800xi32, #tpu.memory_space<vmem>>, vector<1x1x12800xi32>
    %get3A_22 = vector.shape_cast %get3A_21 : vector<1x1x12800xi32> to vector<1x12800xi32>
    %jit3A_23 = arith.constant 0 : i32
    %jit3A_24 = arith.constant 255 : i32
    %max3A_25 = vector.broadcast %jit3A_23 : i32 to vector<1x12800xi32>
    %max3A_26 = arith.maxsi %max3A_25, %get3A_22 : vector<1x12800xi32>
    %min3A_27 = vector.broadcast %jit3A_24 : i32 to vector<1x12800xi32>
    %min3A_28 = arith.minsi %min3A_27, %max3A_26 : vector<1x12800xi32>
    %eq3A = vector.broadcast %min3A_17 : vector<1x12800xi32> to vector<256x12800xi32>
    %eq3A_29 = arith.cmpi eq, %eq3A, %iota3A : vector<256x12800xi32>
    %convert_element_type3A = arith.extui %eq3A_29 : vector<256x12800xi1> to vector<256x12800xi32>
    %convert_element_type3A_30 = arith.sitofp %convert_element_type3A : vector<256x12800xi32> to vector<256x12800xf32>
    %convert_element_type3A_31 = arith.truncf %convert_element_type3A_30 : vector<256x12800xf32> to vector<256x12800xbf16>
    %eq3A_32 = vector.broadcast %min3A_28 : vector<1x12800xi32> to vector<256x12800xi32>
    %eq3A_33 = arith.cmpi eq, %eq3A_32, %iota3A : vector<256x12800xi32>
    %convert_element_type3A_34 = arith.extui %eq3A_33 : vector<256x12800xi1> to vector<256x12800xi32>
    %convert_element_type3A_35 = arith.sitofp %convert_element_type3A_34 : vector<256x12800xi32> to vector<256x12800xf32>
    %convert_element_type3A_36 = arith.truncf %convert_element_type3A_35 : vector<256x12800xf32> to vector<256x12800xbf16>
    %get3A_37 = arith.constant 0 : index
    %get3A_38 = arith.constant 0 : index
    %get3A_39 = vector.load %arg6[%get3A_37, %get3A_38] : memref<256x128xbf16, #tpu.memory_space<vmem>>, vector<256x128xbf16>
    %dot_general3A_40 = arith.constant dense<0.000000e+00> : vector<12800x128xf32>
    %dot_general3A_41 = tpu.matmul %convert_element_type3A_31, %get3A_39, %dot_general3A_40 {dimension_numbers = #tpu.dot_dimension_numbers<[0], [0], [1], [1], [0, 1, 1, 1], [], []>, transpose_lhs_hint = false} : vector<256x12800xbf16>, vector<256x128xbf16>, vector<12800x128xf32> -> vector<12800x128xf32>
    %add3A_42 = arith.addf %add3A_9, %dot_general3A_41 : vector<12800x128xf32>
    %get3A_43 = arith.constant 0 : index
    %get3A_44 = arith.constant 0 : index
    %get3A_45 = vector.load %arg7[%get3A_43, %get3A_44] : memref<256x128xbf16, #tpu.memory_space<vmem>>, vector<256x128xbf16>
    %dot_general3A_46 = arith.constant dense<0.000000e+00> : vector<12800x128xf32>
    %dot_general3A_47 = tpu.matmul %convert_element_type3A_36, %get3A_45, %dot_general3A_46 {dimension_numbers = #tpu.dot_dimension_numbers<[0], [0], [1], [1], [0, 1, 1, 1], [], []>, transpose_lhs_hint = false} : vector<256x12800xbf16>, vector<256x128xbf16>, vector<12800x128xf32> -> vector<12800x128xf32>
    %add3A_48 = arith.addf %add3A_42, %dot_general3A_47 : vector<12800x128xf32>
    %swap3A = arith.constant 0 : index
    %swap3A_49 = arith.constant 0 : index
    %swap3A_50 = vector.load %arg8[%swap3A, %swap3A_49] : memref<12800x128xf32, #tpu.memory_space<vmem>>, vector<12800x128xf32>
    tpu.vector_store %arg8[%swap3A, %swap3A_49], %add3A_48 {strides = array<i32>} : memref<12800x128xf32, #tpu.memory_space<vmem>>, vector<12800x128xf32>,
    return
  }
  func.func @transform_0(%arg0: i32) -> (i32, i32) {
    %c0_i32 = arith.constant 0 : i32
    %c0_i32_0 = arith.constant 0 : i32
    return %arg0, %c0_i32 : i32, i32
  }
  func.func @transform_1(%arg0: i32) -> (i32, i32) {
    %c0_i32 = arith.constant 0 : i32
    %c0_i32_0 = arith.constant 0 : i32
    %c0_i32_1 = arith.constant 0 : i32
    return %c0_i32, %c0_i32_0 : i32, i32
  }
  func.func @transform_2(%arg0: i32) -> (i32, i32) {
    %c0_i32 = arith.constant 0 : i32
    %c0_i32_0 = arith.constant 0 : i32
    %c0_i32_1 = arith.constant 0 : i32
    return %c0_i32, %c0_i32_0 : i32, i32
  }
  func.func @transform_3(%arg0: i32) -> (i32, i32, i32) {
    %c0_i32 = arith.constant 0 : i32
    %c0_i32_0 = arith.constant 0 : i32
    %c0_i32_1 = arith.constant 0 : i32
    return %c0_i32, %c0_i32_0, %arg0 : i32, i32, i32
  }
  func.func @transform_4(%arg0: i32) -> (i32, i32, i32) {
    %c1_i32 = arith.constant 1 : i32
    %c0_i32 = arith.constant 0 : i32
    %c0_i32_0 = arith.constant 0 : i32
    return %c1_i32, %c0_i32, %arg0 : i32, i32, i32
  }
  func.func @transform_5(%arg0: i32) -> (i32, i32) {
    %c0_i32 = arith.constant 0 : i32
    %c0_i32_0 = arith.constant 0 : i32
    %c0_i32_1 = arith.constant 0 : i32
    return %c0_i32, %c0_i32_0 : i32, i32
  }
  func.func @transform_6(%arg0: i32) -> (i32, i32) {
    %c0_i32 = arith.constant 0 : i32
    %c0_i32_0 = arith.constant 0 : i32
    %c0_i32_1 = arith.constant 0 : i32
    return %c0_i32, %c0_i32_0 : i32, i32
  }
  func.func @transform_7(%arg0: i32) -> (i32, i32) {
    %c0_i32 = arith.constant 0 : i32
    %c0_i32_0 = arith.constant 0 : i32
    return %arg0, %c0_i32 : i32, i32
  }
}

</mosaic_0001>

<sc_bundles>
// kernel: kernel.4.cloned.1.call-start
scs
__scs_entry_jumppad:
0x0: {  	(pc) =	sbr.rel $0x88, $3  }
0x1: {  	(tag) =	ssettag $0x0;
	lr =	simm.s32 $0x1  }
0x2: {  	[smem:$0x3F9B] =	sst lr;
	_ =	strace $0xD0000000  }
0x3: {  	_ = 	snop  }
0x4: {  	_ = 	snop  }
0x5: {  	_ = 	snop  }
0x6: {  	_ = 	snop  }
0x7: {  	_ = 	snop  }
__scs_overlays_trampoline_lowered:
0x8: {  	[smem:$0x3FAA] =	sst s0  }
0x9: {  	[smem:$0x3FAB] =	sst s1  }
0xa: {  	[smem:$0x3FAC] =	sst s2  }
0xb: {  	[smem:$0x3FAD] =	sst s3  }
0xc: {  	[smem:$0x3FAE] =	sst s4  }
0xd: {  	[smem:$0x3FAF] =	sst s5  }
0xe: {  	[smem:$0x3FB0] =	sst s6  }
0xf: {  	[smem:$0x3FB1] =	sst s7  }
0x10: {  	[smem:$0x3FB2] =	sst s8  }
0x11: {  	[smem:$0x3FB3] =	sst s9;
	s0 =	simm.s32 @!p0 $0x0  }
0x12: {  	s1 =	sld [smem:$0x3F99];
	s0 =	simm.s32 @p0 $0x1  }
0x13: {  	[smem:$0x3FB4] =	sst s0;
	s0 =	simm.s32 @!p1 $0x0  }
0x14: {  	s2 =	sld [smem:$0x3F98];
	s0 =	simm.s32 @p1 $0x1  }
0x15: {  	[smem:$0x3FB5] =	sst s0;
	s0 =	simm.s32 @!p2 $0x0  }
0x16: {  	s3 =	sld [smem:$0x3FDB];
	s0 =	simm.s32 @p2 $0x1  }
0x17: {  	s4 =	simm.s32 $0x1BF5;
	[smem:$0x3FB7] =	sst s0  }
0x18: {  	s0 =	sld [smem:$0x3F9A];
	_ =	swait.ge [sflag:s4], $0x0  }
0x19: {  	s7 =	sld [smem:$0x3F9B]  }
0x1a: {  	s8 =	sadd.s32 $0xFFFFE003, lr  }
0x1b: {  	s9 =	sadd.s32 $0xFFFFFEF7, lr;
	s5 =	simm.s32 $0xFFFFFFFF;
	p2 =	slt.u32 s8, $0xFFFFF086  }
0x1c: {  	p1 =	slt.u32 s9, $0xF7A;
	s5 =	simm.s32 @!p2 $0x0  }
0x1d: {  	s5 =	simm.s32 @p1 $0x1;
	p0 =	seq.s32 s7, s2  }
0x1e: {  	s7 =	smul.u32 @!p0 $0xF7A, s2;
	p2 =	seq.s32 @!p0 s5, $0x0  }
0x1f: {  	s9 =	smul.u32 $0xF7A, s1;
	s8 =	simm.s32 @!p0 $0x1BF5;
	p2 =	por !p2, p0  }
0x20: {  	[sflag:s8] =	ssyncset.s32 @!p0 $0xFFFFF086;
	s6 =	sadd.s32 @!p0 s3, s7;
	s7 =	simm.s32 @!p0 $0x108  }
0x21: {  	s3 =	sadd.s32 s3, s9;
	s6 =	sadd.s32 @!p0 $0x88, s6;
	s7 =	simm.s32 @p2 $0x1082  }
0x22: {  	[simem:s7], [sflag:s8] =	dma.local @!p0 [hbm:s6], $0xF7A  }
0x23: {  	s9 =	sor.u32 $0xD0000000, s2;
	s6 =	simm.s32 $0x108;
	_ =	swait.ge @!p0 [sflag:s8], $0x0  }
0x24: {  	s3 =	sadd.s32 $0x88, s3;
	s6 =	simm.s32 @!p1 $0x1082;
	[sflag:s4] =	ssyncset.s32 $0xFFFFF086  }
0x25: {  	[simem:s6], [sflag:s4] =	dma.local [hbm:s3], $0xF7A  }
0x26: {  	[smem:$0x3F9B] =	sst s1;
	(tag) =	ssettag s2;
	_ =	strace s9  }
0x27: {  	s1 =	sld [smem:$0x3FAB]  }
0x28: {  	s2 =	sld [smem:$0x3FAC]  }
0x29: {  	s4 =	sld [smem:$0x3FAE]  }
0x2a: {  	p0 =	seq.s32 s5, $0x0;
	s5 =	sld [smem:$0x3FAF]  }
0x2b: {  	s6 =	sld [smem:$0x3FB0]  }
0x2c: {  	s7 =	sld [smem:$0x3FB1]  }
0x2d: {  	s3 =	simm.s32 $0x108;
	s8 =	sld [smem:$0x3FB2]  }
0x2e: {  	s3 =	simm.s32 @!p0 $0x1082;
	s9 =	sld [smem:$0x3FB3]  }
0x2f: {  	lr =	sadd.s32 s0, s3;
	s0 =	sld [smem:$0x3FAA]  }
0x30: {  	s3 =	sld [smem:$0x3FAD]  }
0x31: {  	[smem:$0x3FB6] =	sst s10  }
0x32: {  	s10 =	sld [smem:$0x3FB4];
	_ =	sdelay $0x3  }
0x33: {  	p0 =	seq.s32 s10, $0x1;
	s10 =	sld [smem:$0x3FB6];
	_ =	sdelay $0x3  }
0x34: {  	[smem:$0x3FB6] =	sst s10  }
0x35: {  	s10 =	sld [smem:$0x3FB5];
	_ =	sdelay $0x3  }
0x36: {  	p1 =	seq.s32 s10, $0x1;
	s10 =	sld [smem:$0x3FB6];
	_ =	sdelay $0x3  }
0x37: {  	[smem:$0x3FB6] =	sst s10  }
0x38: {  	s10 =	sld [smem:$0x3FB7]  }
0x39: {  	_ = 	snop;
	(pc) =	sbr.ind lr, $3  }
0x3a: {  	_ = 	snop  }
0x3b: {  	_ = 	snop  }
0x3c: {  	p2 =	seq.s32 s10, $0x1;
	s10 =	sld [smem:$0x3FB6]  }
0x3d: {  	_ =	shalt  }
0x3e: {  	_ =	shalt  }
0x3f: {  	_ =	shalt  }
0x40: {  	_ =	shalt  }
0x41: {  	_ =	shalt  }
0x42: {  	_ =	shalt  }
0x43: {  	_ =	shalt  }
0x44: {  	_ =	shalt  }
0x45: {  	_ =	shalt  }
0x46: {  	_ =	shalt  }
0x47: {  	_ =	shalt  }
0x48: {  	_ =	shalt  }
0x49: {  	_ =	shalt  }
0x4a: {  	_ =	shalt  }
0x4b: {  	_ =	shalt  }
0x4c: {  	_ =	shalt  }
0x4d: {  	_ =	shalt  }
0x4e: {  	_ =	shalt  }
0x4f: {  	_ =	shalt  }
0x50: {  	_ =	shalt  }
0x51: {  	_ =	shalt  }
0x52: {  	_ =	shalt  }
0x53: {  	_ =	shalt  }
0x54: {  	_ =	shalt  }
0x55: {  	_ =	shalt  }
0x56: {  	_ =	shalt  }
0x57: {  	_ =	shalt  }
0x58: {  	_ =	shalt  }
0x59: {  	_ =	shalt  }
0x5a: {  	_ =	shalt  }
0x5b: {  	_ =	shalt  }
0x5c: {  	_ =	shalt  }
0x5d: {  	_ =	shalt  }
0x5e: {  	_ =	shalt  }
0x5f: {  	_ =	shalt  }
0x60: {  	_ =	shalt  }
0x61: {  	_ =	shalt  }
0x62: {  	_ =	shalt  }
0x63: {  	_ =	shalt  }
0x64: {  	_ =	shalt  }
0x65: {  	_ =	shalt  }
0x66: {  	_ =	shalt  }
0x67: {  	_ =	shalt  }
0x68: {  	_ =	shalt  }
0x69: {  	_ =	shalt  }
0x6a: {  	_ =	shalt  }
0x6b: {  	_ =	shalt  }
0x6c: {  	_ =	shalt  }
0x6d: {  	_ =	shalt  }
0x6e: {  	_ =	shalt  }
0x6f: {  	_ =	shalt  }
0x70: {  	_ =	shalt  }
0x71: {  	_ =	shalt  }
0x72: {  	_ =	shalt  }
0x73: {  	_ =	shalt  }
0x74: {  	_ =	shalt  }
0x75: {  	_ =	shalt  }
0x76: {  	_ =	shalt  }
0x77: {  	_ =	shalt  }
0x78: {  	_ =	shalt  }
0x79: {  	_ =	shalt  }
0x7a: {  	_ =	shalt  }
0x7b: {  	_ =	shalt  }
0x7c: {  	_ =	shalt  }
0x7d: {  	_ =	shalt  }
0x7e: {  	_ =	shalt  }
0x7f: {  	_ =	shalt  }
0x80: {  	_ =	shalt  }
0x81: {  	_ =	shalt  }
0x82: {  	_ =	shalt  }
0x83: {  	_ =	shalt  }
0x84: {  	_ =	shalt  }
0x85: {  	_ =	shalt  }
0x86: {  	_ =	shalt  }
0x87: {  	_ =	shalt  }
.Lfunc_end0:
.L_simem_size_0:
called_computation_lowered:
.L_overlay_start_0:
0x88: {  	s2 =	sld [smem:$0x3FD9]  }
0x89: {  	s3 =	sld [smem:$0x3FFE];
	_ =	sdelay $0x1  }
0x8a: {  	s1 =	srdreg.scid  }
0x8b: {  	s0 =	sand.u32 $0x1, s1  }
0x8c: {  	s17 =	sshll.u32 s0, $0xA;
	s2 =	sadd.s32 s3, s2  }
0x8d: {  	s2 =	sadd.s32 s2, s17  }
0x8e: {  	[smem:$0x3FC2] =	sst s2  }
0x8f: {  	_ = 	snop  }
0x90: {  	s2 =	sld [smem:$0x3FD0];
	(tm) =	ssettm $0x1  }
0x91: {  	s18 =	sld [smem:$0x3FFB];
	_ =	sdelay $0x3  }
0x92: {  	_ =	strace s18  }
0x93: {  	s3 =	sld [smem:$0x3FFC];
	_ =	sdelay $0x3  }
0x94: {  	_ =	strace s3  }
0x95: {  	s3 =	sld [smem:$0x3FFD];
	_ =	sdelay $0x3  }
0x96: {  	_ =	strace s3  }
0x97: {  	_ =	strace $0x8FFFFFFF  }
0x98: {  	s19 =	sld [smem:$0x3FDB];
	_ =	sdelay $0x1  }
0x99: {  	s4 =	simm.s32 $_scs_section_size  }
0x9a: {  	s5 =	simm.s32 $_size__tile_overlayer_lowered;
	s6 =	simm.s32 $_tile_overlayer_lowered  }
0x9b: {  	s22 =	simm.s32 $0x1BFF;
	s21 =	sshll.u32 s6, $0x1;
	s3 =	sadd.s32 s4, s19  }
0x9c: {  	s7 =	simm.s32 $0x0;
	s20 =	sshll.u32 s5, $0x1;
	s5 =	sadd.s32 s21, s3  }
0x9d: {  	[timem:s7], [sflag:s22] =	dma.local [hbm:s5], s20  }
0x9e: {  	_ =	swait.ge [sflag:s22], s20  }
0x9f: {  	s4 =	ssub.s32 $0x0, s20;
	[sflag:s22] =	ssyncset.done $0x0  }
0xa0: {  	[sflag:s22] =	ssyncadd.s32 s4;
	_ =	sdelay $0x1  }
0xa1: {  	s23 =	simm.s32 $0x1B8B  }
0xa2: {  	_ =	swait.ge [sflag:s23], $0x1  }
0xa3: {  	[sflag:s23] =	ssyncset.done $0x0  }
0xa4: {  	s25 =	simm.s32 $0x1B8E;
	s24 =	sld [smem:$0x3FFE];
	[sflag:s23] =	ssyncadd.s32 $0xFFFFFFFF  }
0xa5: {  	s26 =	simm.s32 $execute0_lowered;
	[smem:$0x3FD2] =	sst s25  }
0xa6: {  	s5 =	sshll.u32 s26, $0x1;
	_ =	strace $0x80000046;
	[dreg:$0x1] =	wrdreg $0xFFFFFFFF  }
0xa7: {  	s28 =	simm.s32 $_size_execute0_lowered;
	s3 =	sadd.s32 s3, s5;
	[dreg:$0x0] =	wrdreg $0x0  }
0xa8: {  	s5 =	sshll.u32 s28, $0x1;
	[dreg:$0x2] =	wrdreg s3  }
0xa9: {  	[dreg:$0x3] =	wrdreg s5  }
0xaa: {  	[dreg:$0x4] =	wrdreg $0xC0  }
0xab: {  	_ =	task [dreg:s7], $0x5FFFF  }
0xac: {  	[dreg:$0x1] =	wrdreg $0xFFFFFFFF  }
0xad: {  	[dreg:$0x0] =	wrdreg $0x60  }
0xae: {  	[dreg:$0x2] =	wrdreg s2  }
0xaf: {  	[dreg:$0x3] =	wrdreg s24  }
0xb0: {  	[dreg:$0x4] =	wrdreg $0x0  }
0xb1: {  	[dreg:$0x5] =	wrdreg $0x9  }
0xb2: {  	_ =	task.clear_ibuf [dreg:s7], $0x6FFFF;
	_ =	strace $0x90000046  }
0xb3: {  	s29 =	simm.s32 $0x9;
	_ =	strace $0x80000048  }
0xb4: {  	_ =	swait.ge [sflag:s29], $0x1  }
0xb5: {  	[sflag:s29] =	ssyncadd.s32 $0xFFFFFFFF  }
0xb6: {  	_ =	strace $0x90000048  }
0xb7: {  	_ =	sfence  }
0xb8: {  	s30 =	sld [smem:$0x0];
	_ =	sdelay $0x2  }
0xb9: {  	s31 =	sshll.u32 s1, $0xD;
	s1 =	sshrl.u32 s1, $0x2  }
0xba: {  	s3 =	sand.u32 $0x4000, s31;
	s1 =	sadd.s32 s1, s30  }
0xbb: {  	s0 =	sor.u32 s3, s0;
	s1 =	sshll.u32 s1, $0x11  }
0xbc: {  	s0 =	sor.u32 s1, s0  }
0xbd: {  	s0 =	sadd.s32 $0x8F2B, s0  }
0xbe: {  	[sflag:s0] =	ssyncadd.remote.s32 $0x1  }
0xbf: {  	_ =	sfence.sel $0xFFFF  }
0xc0: {  	[dreg:$0x0] =	wrdreg $0xFFFFFFFF;
	(pc) =	sbr.abs _section_cstart, $3  }
0xc1: {  	[dreg:$0x1] =	wrdreg $0xFFFFFFFF  }
0xc2: {  	_ =	task.clear_ibuf [dreg:s7], $0x2FFFF;
	_ =	strace $0x9FFFFFFF  }
0xc3: {  	(tm) =	ssettm $0x7FFFFFFF  }
tec
execute0_lowered:
.L_overlay_start_1:
0x0: {  	(tag) =	ssettag $0x1  }
0x1: {  	s1 =	rddreg [dreg:$0x0]  }
0x2: {  	s0 =	rddreg [dreg:$0x1]  }
0x3: {  	s3 =	rddreg [dreg:$0x2]  }
0x4: {  	s2 =	srdreg.scid;
	s9 =	stileid.u32  }
0x5: {  	s4 =	simm.s32 $0x0;
	s15 =	simm.s32 $0x1900;
	s16 =	simm.s32 $0x3900  }
0x6: {  	s17 =	simm.s32 $0x3100;
	s18 =	simm.s32 $0x5;
	s19 =	simm.s32 $0x1  }
0x7: {  	s20 =	simm.s32 $0x800;
	s30 =	simm.s32 $0x0;
	s5 =	smul.u32 $0x3200, s9  }
0x8: {  	s31 =	simm.s32 $0x0;
	s2 =	sand.u32 $0x1, s2;
	s7 =	smul.u32 $0x6400, s9  }
0x9: {  	[smem:$0x7FF] =	sst s4;
	s24 =	smul.u32 $0x32000, s9;
	s6 =	sshll.u32 s2, $0x7  }
0xa: {  	s21 =	ssub.s32 $0x2, s2;
	_ =	strace $0x80000047;
	p0 =	seq.s32 s2, $0x0  }
0xb: {  	s5 =	sor.u32 s6, s5;
	s8 =	sshrl.u32 s21, $0x1;
	s22 =	sshrl.u32 s7, $0x2  }
0xc: {  	s23 =	sadd.s32 s1, s7;
	s11 =	sadd.s32 $0x2000, s24;
	s12 =	sadd.s32 $0x3000, s24  }
0xd: {  	s5 =	sshrl.u32 s5, $0x3;
	s6 =	sadd.s32 s22, s3;
	[dreg:$0x4] =	wrdreg s23  }
0xe: {  	s0 =	sadd.s32 s5, s0;
	s5 =	sadd.s32 $0x200, s23;
	[dreg:$0x5] =	wrdreg s6  }
0xf: {  	s24 =	simm.s32 $0x4900;
	s25 =	sadd.s32 $0x800, s6;
	[dreg:$0x6] =	wrdreg s5  }
.Ltmp0:
0x10: {  	s26 =	sadd.s32 $0x1000, s6;
	[dreg:$0x7] =	wrdreg s25;
	(pc) =	sbr.rel .LBB2_1-.Ltmp0, $4  }
0x11: {  	s8 =	ssub.s32 s21, s8;
	s28 =	sadd.s32 $0x1800, s6;
	[dreg:$0x8] =	wrdreg s26  }
0x12: {  	s21 =	simm.s32 $0x2900;
	s29 =	smax.u32 s8, $0x1;
	[dreg:$0x9] =	wrdreg s28  }
0x13: {  	s22 =	simm.s32 $0x2;
	s0 =	sadd.s32 $0x1C00, s0;
	[dreg:$0xb] =	wrdreg s29  }
0x14: {  	v0 =	vimm.s32 $0x0;
	s23 =	simm.s32 $0x4;
	s25 =	simm.s32 $0x5100;
	[dreg:$0xa] =	wrdreg s0  }
.LBB2_14:
0x15: {  	s0 =	simm.s32 $0x3  }
0x16: {  	_ =	swait.ge [sflag:s0], $0x800  }
0x17: {  	[sflag:s0] =	ssyncset.done $0x0  }
0x18: {  	[sflag:s0] =	ssyncadd.s32 $0xFFFFF800  }
0x19: {  	_ =	swait.ge [sflag:s23], $0x800  }
0x1a: {  	[sflag:s23] =	ssyncset.done $0x0  }
0x1b: {  	[sflag:s23] =	ssyncadd.s32 $0xFFFFF800  }
0x1c: {  	s28 =	stileid.u32;
	s7 =	simm.s32 $0x20;
	[bflag:$0x0] =	sbarrier.arrive $0xFFFF  }
0x1d: {  	s8 =	simm.s32 $0x10;
	s0 =	sshll.u32 s28, $0x6;
	s6 =	rddreg [dreg:$0x5]  }
0x1e: {  	s0 =	sor.u32 $0x1C05, s0;
	s5 =	rddreg [dreg:$0xa];
	s2 =	sshrl.u32 s6, $0x3  }
0x1f: {  	[hbm:s5@s7], [sflag:s0] =	dma.strided [spmem:s2@s8], $0x320, s19, $0x10   }
0x20: {  	_ =	swait.ge [sflag:s18], $0x320  }
0x21: {  	s30 =	sadd.s32 $0x1, s30;
	s29 =	rddreg [dreg:$0xb]  }
0x22: {  	p1 =	sne.s32 s30, s29  }
.Ltmp1:
0x23: {  	_ = 	snop;
	(pc) =	sbr.rel @!p1 .LBB2_15-.Ltmp1, $3  }
0x24: {  	_ =	sdelay $0x1  }
0x25: {  	[sflag:s18] =	ssyncset.done $0x0  }
0x26: {  	[sflag:s18] =	ssyncadd.s32 $0xFFFFFCE0  }
.LBB2_1:
0x27: {  	s0 =	rddreg [dreg:$0x4]  }
0x28: {  	[tilespmem:s15], [sflag:$0x1] =	stream.linear.gather [hbm4b:s0+s4], $0x1000, $0x38;
	[tilespmem:$0x5900] =	vst v63  }
0x29: {  	s29 =	rddreg [dreg:$0x6];
	s2 =	simm.s32 $0x0;
	s0 =	simm.s32 $0x40  }
0x2a: {  	[tilespmem:s16], [sflag:$0x2] =	stream.linear.gather [hbm4b:s29+s4], $0x1000, $0x38;
	[tilespmem:$0x5900] =	vst v63  }
.LBB2_2:
0x2b: {  	p1 =	sne.s32 s0, $0x1FC0;
	[tilespmem:s2+$0x3100] =	vst v0;
	s2 =	smov.u32 s0;
	s0 =	sadd.s32 $0x40, s0  }
.Ltmp2:
0x2c: {  	(pc) =	sbr.rel @p1 .LBB2_2-.Ltmp2, $2  }
0x2d: {  	_ =	sdelay $0x2  }
0x2e: {  	s2 =	sshra.s32 s2, $0x2  }
0x2f: {  	[tilespmem:s2+$0x3100] =	vst v0  }
0x30: {  	[spmem:s6] =	stream.linear.scatter [tilespmem:s17], [sflag:$0x5], $0x800, $0x38;
	[tilespmem:$0x5900] =	vst v63  }
0x31: {  	_ =	swait.ge [sflag:s18], $0x800  }
0x32: {  	[sflag:s18] =	ssyncset.done $0x0  }
0x33: {  	s0 =	rddreg [dreg:$0x7];
	[sflag:s18] =	ssyncadd.s32 $0xFFFFF800  }
0x34: {  	[spmem:s0] =	stream.linear.scatter [tilespmem:s17], [sflag:$0x5], $0x800, $0x38;
	[tilespmem:$0x5900] =	vst v63  }
0x35: {  	_ =	swait.ge [sflag:s18], $0x800  }
0x36: {  	[sflag:s18] =	ssyncset.done $0x0  }
0x37: {  	s28 =	rddreg [dreg:$0x8];
	[sflag:s18] =	ssyncadd.s32 $0xFFFFF800  }
0x38: {  	[spmem:s28] =	stream.linear.scatter [tilespmem:s17], [sflag:$0x5], $0x800, $0x38;
	[tilespmem:$0x5900] =	vst v63  }
0x39: {  	_ =	swait.ge [sflag:s18], $0x800  }
0x3a: {  	[sflag:s18] =	ssyncset.done $0x0  }
0x3b: {  	s29 =	rddreg [dreg:$0x9];
	[sflag:s18] =	ssyncadd.s32 $0xFFFFF800  }
0x3c: {  	[spmem:s29] =	stream.linear.scatter [tilespmem:s17], [sflag:$0x5], $0x100, $0x38;
	[tilespmem:$0x5900] =	vst v63  }
0x3d: {  	_ =	swait.ge [sflag:s18], $0x100  }
0x3e: {  	[sflag:s18] =	ssyncset.done $0x0  }
0x3f: {  	[sflag:s18] =	ssyncadd.s32 $0xFFFFFF00  }
0x40: {  	s0 =	simm.s32 $0x0;
	[bflag:$0x0] =	sbarrier.arrive $0xFFFF  }
.LBB2_4:
0x41: {  	_ =	swait.ge [sflag:s19], $0x1000  }
0x42: {  	p1 =	seq.s32 s0, $0x0;
	[sflag:s19] =	ssyncset.done $0x0  }
0x43: {  	s2 =	simm.s32 @!p1 $0x3;
	[sflag:s19] =	ssyncadd.s32 $0xFFFFF000  }
0x44: {  	s7 =	sand.u32 $0xF00, s31;
	_ =	swait.ge @!p1 [sflag:s2], $0x800  }
0x45: {  	s8 =	sand.u32 $0x40, s31;
	s7 =	sadd.s32 $0x1900, s7;
	[sflag:s2] =	ssyncset.done @!p1 $0x0  }
0x46: {  	s5 =	sor.u32 s8, s7;
	[sflag:s2] =	ssyncadd.s32 @!p1 $0xFFFFF800  }
0x47: {  	v1 =	vld [tilespmem:s5+$0x0]  }
0x48: {  	v2 =	vld [tilespmem:s5+$0x80];
	_ =	sdelay $0x4  }
0x49: {  	vm0 =	vne.s32 v1, v2  }
0x4a: {  	s29 =	simm.s32 $0x3100;
	v3 =	vsel vm0, $0x1, v0  }
0x4b: {  	s9 =	sor.u32 $0x10, s8;
	s2 =	simm.s32 $0x2900;
	v1 =	vpsel p0, v2, v1;
	[tilespmem:s29+$0x0] =	vst v3  }
0x4c: {  	s10 =	sor.u32 s9, s7;
	[tilespmem:s2+$0x0] =	vst v1  }
0x4d: {  	v1 =	vld [tilespmem:s10+$0x0]  }
0x4e: {  	v2 =	vld [tilespmem:s10+$0x80];
	_ =	sdelay $0x3  }
0x4f: {  	s6 =	sand.u32 $0x780, s31  }
0x50: {  	s9 =	sor.u32 s6, s9;
	vm14 =	vne.s32 v1, v2;
	v1 =	vpsel p0, v2, v1  }
0x51: {  	s28 =	sor.u32 $0x20, s8;
	v2 =	vsel vm14, $0x1, v0;
	[tilespmem:s9+$0x2900] =	vst v1  }
0x52: {  	s13 =	sor.u32 s28, s7;
	[tilespmem:s9+$0x3100] =	vst v2  }
0x53: {  	v1 =	vld [tilespmem:s13+$0x0]  }
0x54: {  	v2 =	vld [tilespmem:s13+$0x80];
	_ =	sdelay $0x4  }
0x55: {  	s14 =	sor.u32 s6, s28;
	vm15 =	vne.s32 v1, v2;
	v1 =	vpsel p0, v2, v1  }
0x56: {  	s8 =	sor.u32 $0x30, s8;
	v2 =	vsel vm15, $0x1, v0;
	[tilespmem:s14+$0x2900] =	vst v1  }
0x57: {  	s26 =	sor.u32 s8, s7;
	[tilespmem:s14+$0x3100] =	vst v2  }
0x58: {  	v1 =	vld [tilespmem:s26+$0x0]  }
0x59: {  	v2 =	vld [tilespmem:s26+$0x80]  }
0x5a: {  	s28 =	sshll.u32 s0, $0xD  }
0x5b: {  	s7 =	simm.s32 $0x40;
	s10 =	sor.u32 s6, s8;
	s8 =	simm.s32 $0x0  }
.LBB2_5:
0x5c: {  	s8 =	sadd.s32 $0x80, s8;
	s29 =	sadd.s32 $0x40, s29;
	s2 =	sadd.s32 $0x40, s2  }
0x5d: {  	p2 =	sne.s32 s7, $0x7C0;
	s13 =	smov.u32 s7;
	s7 =	sadd.s32 $0x40, s7  }
0x5e: {  	s9 =	sand.u32 $0xF00, s8;
	vm0 =	vne.s32 v1, v2;
	v1 =	vpsel p0, v2, v1  }
0x5f: {  	s14 =	sand.u32 $0x40, s13;
	s9 =	sadd.s32 $0x1900, s9;
	v2 =	vsel vm0, $0x1, v0;
	[tilespmem:s10+$0x2900] =	vst v1  }
0x60: {  	s26 =	sor.u32 $0x10, s14;
	s6 =	sor.u32 $0x20, s14;
	s5 =	sor.u32 s14, s9;
	[tilespmem:s10+$0x3100] =	vst v2  }
0x61: {  	v1 =	vld [tilespmem:s5+$0x0]  }
0x62: {  	v2 =	vld [tilespmem:s5+$0x80];
	_ =	sdelay $0x4  }
0x63: {  	vm0 =	vne.s32 v1, v2;
	v1 =	vpsel p0, v2, v1  }
0x64: {  	v2 =	vsel vm0, $0x1, v0  }
0x65: {  	[tilespmem:s29+$0x0] =	vst v2  }
0x66: {  	s5 =	sor.u32 s26, s9;
	[tilespmem:s2+$0x0] =	vst v1  }
0x67: {  	v1 =	vld [tilespmem:s5+$0x0]  }
0x68: {  	v2 =	vld [tilespmem:s5+$0x80];
	_ =	sdelay $0x2  }
0x69: {  	s5 =	sand.u32 $0x780, s13  }
0x6a: {  	s10 =	sor.u32 s5, s26  }
0x6b: {  	vm0 =	vne.s32 v1, v2;
	v1 =	vpsel p0, v2, v1  }
0x6c: {  	v2 =	vsel vm0, $0x1, v0;
	[tilespmem:s10+$0x2900] =	vst v1  }
0x6d: {  	[tilespmem:s10+$0x3100] =	vst v2;
	s10 =	sor.u32 s6, s9  }
0x6e: {  	v1 =	vld [tilespmem:s10+$0x0]  }
0x6f: {  	v2 =	vld [tilespmem:s10+$0x80];
	_ =	sdelay $0x2  }
0x70: {  	s6 =	sor.u32 s5, s6;
	_ =	sdelay $0x1  }
0x71: {  	vm0 =	vne.s32 v1, v2;
	v1 =	vpsel p0, v2, v1  }
0x72: {  	s10 =	sor.u32 $0x30, s14;
	v2 =	vsel vm0, $0x1, v0;
	[tilespmem:s6+$0x2900] =	vst v1  }
.Ltmp3:
0x73: {  	[tilespmem:s6+$0x3100] =	vst v2;
	s6 =	sor.u32 s10, s9;
	(pc) =	sbr.rel @p2 .LBB2_5-.Ltmp3, $3  }
0x74: {  	v1 =	vld [tilespmem:s6+$0x0]  }
0x75: {  	v2 =	vld [tilespmem:s6+$0x80];
	_ =	sdelay $0x1  }
0x76: {  	s10 =	sor.u32 s5, s10  }
0x77: {  	p2 =	sne.s32 s0, $0x18  }
.Ltmp4:
0x78: {  	_ = 	snop;
	(pc) =	sbr.rel @p2 .LBB2_8-.Ltmp4, $4  }
0x79: {  	vm0 =	vne.s32 v1, v2;
	v1 =	vpsel p0, v2, v1  }
0x7a: {  	v2 =	vsel vm0, $0x1, v0;
	[tilespmem:s10+$0x2900] =	vst v1  }
0x7b: {  	[tilespmem:s10+$0x3100] =	vst v2  }
0x7c: {  	[spmem:s3] =	stream.indirect.scatter.add.s32 [tilespmem:s17], [sflag:$0x3], $0x1, s21, s20, $0xb8;
	[tilespmem:$0x5900] =	vst v63  }
.Ltmp5:
0x7d: {  	(pc) =	sbr.rel .LBB2_9-.Ltmp5, $4  }
0x7e: {  	_ = 	snop  }
0x7f: {  	_ =	swait.ge [sflag:s22], $0x1000  }
0x80: {  	[sflag:s22] =	ssyncset.done $0x0  }
0x81: {  	[sflag:s22] =	ssyncadd.s32 $0xFFFFF000  }
.LBB2_8:
0x82: {  	s2 =	sadd.s32 s28, s11  }
0x83: {  	s2 =	sshrl.u32 s2, $0x3  }
.Ltmp6:
0x84: {  	s2 =	sadd.s32 s1, s2;
	(pc) =	sbr.rel @p1 .LBB2_10-.Ltmp6, $4  }
0x85: {  	[tilespmem:s15], [sflag:$0x1] =	stream.linear.gather [hbm4b:s2+s4], $0x1000, $0x38;
	[tilespmem:$0x5900] =	vst v63  }
0x86: {  	_ =	swait.ge [sflag:s22], $0x1000  }
0x87: {  	[sflag:s22] =	ssyncset.done $0x0  }
0x88: {  	[sflag:s22] =	ssyncadd.s32 $0xFFFFF000  }
.LBB2_9:
0x89: {  	_ =	swait.ge [sflag:s23], $0x800  }
0x8a: {  	[sflag:s23] =	ssyncset.done $0x0  }
0x8b: {  	[sflag:s23] =	ssyncadd.s32 $0xFFFFF800  }
.LBB2_10:
0x8c: {  	s29 =	simm.s32 $0x0  }
0x8d: {  	s2 =	sand.u32 $0xF00, s29  }
0x8e: {  	s5 =	sand.u32 $0x40, s29;
	s6 =	sadd.s32 $0x3900, s2  }
0x8f: {  	s2 =	sor.u32 s5, s6  }
0x90: {  	v1 =	vld [tilespmem:s2+$0x0]  }
0x91: {  	v2 =	vld [tilespmem:s2+$0x80];
	_ =	sdelay $0x4  }
0x92: {  	vm0 =	vne.s32 v1, v2  }
0x93: {  	s2 =	simm.s32 $0x5100;
	v3 =	vsel vm0, $0x1, v0  }
0x94: {  	s7 =	simm.s32 $0x4900;
	s8 =	sor.u32 $0x10, s5;
	v1 =	vpsel p0, v2, v1;
	[tilespmem:s2+$0x0] =	vst v3  }
0x95: {  	s9 =	sor.u32 s8, s6;
	[tilespmem:s7+$0x0] =	vst v1  }
0x96: {  	v1 =	vld [tilespmem:s9+$0x0]  }
0x97: {  	v2 =	vld [tilespmem:s9+$0x80];
	_ =	sdelay $0x3  }
0x98: {  	s13 =	sand.u32 $0x780, s29  }
0x99: {  	s8 =	sor.u32 s13, s8;
	vm14 =	vne.s32 v1, v2;
	v1 =	vpsel p0, v2, v1  }
0x9a: {  	s10 =	sor.u32 $0x20, s5;
	v2 =	vsel vm14, $0x1, v0;
	[tilespmem:s8+$0x4900] =	vst v1  }
0x9b: {  	s14 =	sor.u32 s10, s6;
	[tilespmem:s8+$0x5100] =	vst v2  }
0x9c: {  	v1 =	vld [tilespmem:s14+$0x0]  }
0x9d: {  	v2 =	vld [tilespmem:s14+$0x80];
	_ =	sdelay $0x4  }
0x9e: {  	s26 =	sor.u32 s13, s10;
	vm15 =	vne.s32 v1, v2;
	v1 =	vpsel p0, v2, v1  }
0x9f: {  	s5 =	sor.u32 $0x30, s5;
	v2 =	vsel vm15, $0x1, v0;
	[tilespmem:s26+$0x4900] =	vst v1  }
0xa0: {  	s6 =	sor.u32 s5, s6;
	[tilespmem:s26+$0x5100] =	vst v2  }
0xa1: {  	v1 =	vld [tilespmem:s6+$0x0]  }
0xa2: {  	v2 =	vld [tilespmem:s6+$0x80];
	_ =	sdelay $0x1  }
0xa3: {  	s10 =	sor.u32 s13, s5;
	s8 =	simm.s32 $0x40  }
.LBB2_11:
0xa4: {  	s29 =	sadd.s32 $0x80, s29;
	s2 =	sadd.s32 $0x40, s2;
	s7 =	sadd.s32 $0x40, s7  }
0xa5: {  	p1 =	sne.s32 s8, $0x7C0;
	s5 =	smov.u32 s8;
	s8 =	sadd.s32 $0x40, s8  }
0xa6: {  	s6 =	sand.u32 $0xF00, s29;
	vm0 =	vne.s32 v1, v2;
	v1 =	vpsel p0, v2, v1  }
0xa7: {  	s13 =	sand.u32 $0x40, s5;
	s9 =	sadd.s32 $0x3900, s6;
	v2 =	vsel vm0, $0x1, v0;
	[tilespmem:s10+$0x4900] =	vst v1  }
0xa8: {  	s14 =	sor.u32 $0x10, s13;
	s26 =	sor.u32 $0x20, s13;
	s6 =	sor.u32 s13, s9;
	[tilespmem:s10+$0x5100] =	vst v2  }
0xa9: {  	v1 =	vld [tilespmem:s6+$0x0]  }
0xaa: {  	v2 =	vld [tilespmem:s6+$0x80];
	_ =	sdelay $0x4  }
0xab: {  	vm0 =	vne.s32 v1, v2;
	v1 =	vpsel p0, v2, v1  }
0xac: {  	v2 =	vsel vm0, $0x1, v0  }
0xad: {  	[tilespmem:s2+$0x0] =	vst v2  }
0xae: {  	s6 =	sor.u32 s14, s9;
	[tilespmem:s7+$0x0] =	vst v1  }
0xaf: {  	v1 =	vld [tilespmem:s6+$0x0]  }
0xb0: {  	v2 =	vld [tilespmem:s6+$0x80];
	_ =	sdelay $0x2  }
0xb1: {  	s5 =	sand.u32 $0x780, s5  }
0xb2: {  	s6 =	sor.u32 s5, s14  }
0xb3: {  	vm0 =	vne.s32 v1, v2;
	v1 =	vpsel p0, v2, v1  }
0xb4: {  	v2 =	vsel vm0, $0x1, v0;
	[tilespmem:s6+$0x4900] =	vst v1  }
0xb5: {  	[tilespmem:s6+$0x5100] =	vst v2;
	s6 =	sor.u32 s26, s9  }
0xb6: {  	v1 =	vld [tilespmem:s6+$0x0]  }
0xb7: {  	v2 =	vld [tilespmem:s6+$0x80];
	_ =	sdelay $0x2  }
0xb8: {  	s6 =	sor.u32 s5, s26;
	_ =	sdelay $0x1  }
0xb9: {  	vm0 =	vne.s32 v1, v2;
	v1 =	vpsel p0, v2, v1  }
0xba: {  	s10 =	sor.u32 $0x30, s13;
	v2 =	vsel vm0, $0x1, v0;
	[tilespmem:s6+$0x4900] =	vst v1  }
.Ltmp7:
0xbb: {  	[tilespmem:s6+$0x5100] =	vst v2;
	s6 =	sor.u32 s10, s9;
	(pc) =	sbr.rel @p1 .LBB2_11-.Ltmp7, $3  }
0xbc: {  	v1 =	vld [tilespmem:s6+$0x0]  }
0xbd: {  	v2 =	vld [tilespmem:s6+$0x80];
	_ =	sdelay $0x1  }
0xbe: {  	s10 =	sor.u32 s5, s10  }
0xbf: {  	p1 =	seq.s32 s0, $0x18  }
.Ltmp8:
0xc0: {  	_ = 	snop;
	(pc) =	sbr.rel @p1 .LBB2_14-.Ltmp8, $4  }
0xc1: {  	vm0 =	vne.s32 v1, v2;
	v1 =	vpsel p0, v2, v1  }
0xc2: {  	v2 =	vsel vm0, $0x1, v0;
	[tilespmem:s10+$0x4900] =	vst v1  }
0xc3: {  	[tilespmem:s10+$0x5100] =	vst v2  }
0xc4: {  	[spmem:s3] =	stream.indirect.scatter.add.s32 [tilespmem:s25], [sflag:$0x4], $0x1, s24, s20, $0xb8;
	[tilespmem:$0x5900] =	vst v63  }
.Ltmp9:
0xc5: {  	(pc) =	sbr.rel .LBB2_4-.Ltmp9, $4  }
0xc6: {  	s2 =	sadd.s32 s28, s12  }
0xc7: {  	s2 =	sshrl.u32 s2, $0x3  }
0xc8: {  	s0 =	sadd.s32 $0x1, s0;
	s2 =	sadd.s32 s1, s2  }
0xc9: {  	[tilespmem:s16], [sflag:$0x2] =	stream.linear.gather [hbm4b:s2+s4], $0x1000, $0x38;
	[tilespmem:$0x5900] =	vst v63  }
.LBB2_15:
0xca: {  	_ =	sfence.sel $0x180000  }
0xcb: {  	[bflag:$0x0] =	sbarrier.arrive $0xFFFF  }
0xcc: {  	_ =	strace $0x90000047  }
0xcd: {  	s0 =	stileid.u32;
	[bflag:$0x2] =	sbarrier.arrive $0xFFFF  }
0xce: {  	p0 =	sne.s32 s0, $0x0;
	s0 =	rddreg [dreg:$0x3]  }
0xcf: {  	s0 =	sadd.s32 @!p0 $0x100000, s0  }
0xd0: {  	[sflag:s0] =	ssyncadd.tile.s32 @!p0 $0x1;
	_ =	shalt  }
.Lfunc_end2:
_tile_overlayer_lowered:
.L_overlay_start_2:
0xd1: {  	(tag) =	ssettag $0x2  }
0xd2: {  	s0 =	rddreg [dreg:$0x0];
	s2 =	stileid.u32  }
0xd3: {  	s1 =	rddreg [dreg:$0x1];
	p0 =	sne.s32 s2, $0x0  }
0xd4: {  	s3 =	rddreg [dreg:$0x2];
	[bflag:$0x3] =	sbarrier.arrive $0xFFFF;
	s2 =	simm.s32 @!p0 $0x1C05  }
0xd5: {  	[timem:s3], [sflag:s2] =	dma.local @!p0 [hbm:s0], s1  }
0xd6: {  	s0 =	simm.s32 @!p0 $0x5  }
0xd7: {  	_ =	swait.ge @!p0 [sflag:s0], s1  }
0xd8: {  	s1 =	ssub.s32 @!p0 $0x0, s1;
	[sflag:s0] =	ssyncset.done @!p0 $0x0  }
0xd9: {  	[sflag:s0] =	ssyncadd.s32 @!p0 s1  }
0xda: {  	[bflag:$0x3] =	sbarrier.arrive $0xFFFF  }
0xdb: {  	_ =	shalt  }

</sc_bundles>
